<compile_context>
chip_gen: v7x
topology: tpu7x:2x2x1
jax: 0.10.2.dev20260603
libtpu: 0.0.44.dev20260713+nightly
codegen_flags: <defaults>
</compile_context>

<pallas_src>
import jax
import jax.numpy as jnp
from jax import lax
from jax.experimental import pallas as pl
from jax.experimental.pallas import tpu as pltpu
from jax.experimental.pallas import tpu_sc as plsc

VOCAB = 1000000
EMB = 64
NTOK = 16384
NPOS = 50
B_TOTAL = NTOK * NPOS

NC, NS = 2, 16
NW = NC * NS
B_PER_W = B_TOTAL // NW
CHUNK = 128
NCHUNK = B_PER_W // CHUNK
NBUF = 8
LAG = 2


def _gather_kernel(ids_hbm, table_hbm, out_hbm, idx_v, rows_v, gsems, osems):
    wid = lax.axis_index("c") * NS + lax.axis_index("s")
    base_w = wid * B_PER_W

    pltpu.sync_copy(ids_hbm.at[wid], idx_v)

    def start_gather(g, b):
        pltpu.async_copy(table_hbm.at[idx_v.at[g]], rows_v.at[b], gsems.at[b])

    def wait_gather(g, b):
        pltpu.make_async_copy(table_hbm.at[idx_v.at[g]], rows_v.at[b],
                              gsems.at[b]).wait()

    def out_slot(g):
        return out_hbm.at[pl.ds(base_w + g * CHUNK, CHUNK)]

    def start_store(g, b):
        pltpu.async_copy(rows_v.at[b], out_slot(g), osems.at[b])

    def wait_store(g, b):
        pltpu.make_async_copy(rows_v.at[b], out_slot(g), osems.at[b]).wait()

    for b in range(NBUF - LAG):
        start_gather(b, b)

    for g in range(LAG):
        b = g % NBUF
        wait_gather(g, b)
        start_store(g, b)
        start_gather(g + NBUF - LAG, (g + NBUF - LAG) % NBUF)

    def outer(k):
        for j in range(NBUF):
            g = LAG + k * NBUF + j
            b = (LAG + j) % NBUF
            wait_gather(g, b)
            start_store(g, b)
            wait_store(g - LAG, j)
            start_gather(g + NBUF - LAG, j)

    pl.loop(0, (NCHUNK - NBUF) // NBUF)(outer)

    for g in range(NCHUNK - NBUF + LAG, NCHUNK):
        b = g % NBUF
        wait_gather(g, b)
        start_store(g, b)

    for g in range(NCHUNK - NBUF, NCHUNK):
        wait_store(g, g % NBUF)


def _xpose_block(x_ref, o_ref):
    y = x_ref[...].T
    o_ref[0, :, 0:8192] = y[0:EMB]
    o_ref[0, :, 8192:16384] = y[EMB:128]


def kernel(input_ids, weight):
    ids = (input_ids.T.reshape(NPOS, 1, 2, 8192)
           .transpose(0, 1, 3, 2).reshape(NW, NCHUNK, CHUNK))
    mesh = plsc.VectorSubcoreMesh(core_axis_name="c", subcore_axis_name="s")
    g = pl.kernel(
        _gather_kernel,
        mesh=mesh,
        compiler_params=pltpu.CompilerParams(use_tc_tiling_on_sc=False),
        out_type=jax.ShapeDtypeStruct((B_TOTAL, EMB), jnp.float32),
        scratch_types=[
            pltpu.VMEM((NCHUNK, CHUNK), jnp.int32),
            pltpu.VMEM((NBUF, CHUNK, EMB), jnp.float32),
            pltpu.SemaphoreType.DMA((NBUF,)),
            pltpu.SemaphoreType.DMA((NBUF,)),
        ],
    )(ids, weight)
    g2 = g.reshape(B_TOTAL // 2, 128)
    out3 = pl.pallas_call(
        _xpose_block,
        grid=(NPOS,),
        in_specs=[pl.BlockSpec((8192, 128), lambda k: (k, 0))],
        out_specs=pl.BlockSpec((1, EMB, 16384), lambda k: (k, 0, 0)),
        out_shape=jax.ShapeDtypeStruct((NPOS, EMB, NTOK), jnp.float32),
    )(g2)
    return jnp.transpose(out3, (2, 0, 1))

# --- scband reference (transcript-rebuilt; emitter-appended) ---
"""Pipeline reference for scband-custom-embedding-13666585936408 (READ-ONLY COPY).

The authoritative reference and input builder live on the scoring server;
editing this copy changes nothing except your own understanding.
"""

import jax, jax.numpy as jnp
import numpy as np

VOCAB = 1000000
EMB = 64

def setup_inputs(seed: int = 0) -> dict:
    key = jax.random.key(seed)
    k1, k2 = jax.random.split(key)
    input_ids = jax.random.randint(k1, (16384, 50), 0, VOCAB, dtype=jnp.int64 if jax.config.jax_enable_x64 else jnp.int32)
    weight = jax.random.normal(k2, (VOCAB, EMB), dtype=jnp.float32)
    return {"input_ids": input_ids, "weight": weight}

def reference(input_ids, weight):
    # nn.Embedding forward: gather rows of the table by index
    return jnp.take(weight, input_ids, axis=0)

if __name__ == "__main__":
    import jax
    _d = setup_inputs()
    print(jax.jit(kernel)(*tuple(_d.values())))

</pallas_src>

<mosaic_0001>
#map = affine_map<(d0, d1) -> (0, 0, 0)>
#map1 = affine_map<(d0, d1) -> (0, 0)>
module attributes {stable_mosaic.version = 14 : i64} {
  func.func @_gather_kernel(%arg0: i32, %arg1: i32, %arg2: memref<32x200x128xi32, #tpu.memory_space<hbm>>, %arg3: memref<1000000x64xf32, #tpu.memory_space<hbm>>, %arg4: memref<819200x64xf32, #tpu.memory_space<hbm>>, %arg5: memref<200x128xi32, #tpu.memory_space<vmem>>, %arg6: memref<8x128x64xf32, #tpu.memory_space<vmem>>, %arg7: memref<8x!tpu.dma_semaphore, #tpu.memory_space<semaphore_mem>>, %arg8: memref<8x!tpu.dma_semaphore, #tpu.memory_space<semaphore_mem>>) attributes {dimension_semantics = [#tpu.dimension_semantics<core_parallel>, #tpu.dimension_semantics<subcore_parallel>], iteration_bounds = array<i64: 2, 16>, scalar_prefetch = 0 : i64, scratch_operands = 4 : i64, tpu.core_type = #tpu.core_type<sc_vector_subcore>, window_params = [{transform_indices = #map}, {transform_indices = #map1}, {transform_indices = #map1}]} {
    %mul3A = arith.constant 16 : i32
    %mul3A_0 = arith.muli %arg0, %mul3A : i32
    %add3A = arith.addi %mul3A_0, %arg1 : i32
    %mul3A_1 = arith.constant 25600 : i32
    %mul3A_2 = arith.muli %add3A, %mul3A_1 : i32
    "tpu.region"() ({
      %run_scoped3A = tpu.sem_alloc : memref<!tpu.dma_semaphore, #tpu.memory_space<semaphore_mem>>
      %dma_start3A_533 = arith.constant 0 : i32
      %dma_start3A_534 = arith.constant 0 : i32
      %dma_start3A_535 = tpu.memref_slice %arg2[%add3A, %dma_start3A_533, %dma_start3A_534] : memref<32x200x128xi32, #tpu.memory_space<hbm>> -> memref<1x200x128xi32, #tpu.memory_space<hbm>>
      %dma_start3A_536 = tpu.memref_squeeze %dma_start3A_535 : memref<1x200x128xi32, #tpu.memory_space<hbm>> -> memref<200x128xi32, #tpu.memory_space<hbm>>
      %dma_start3A_537 = arith.constant 0 : i32
      %dma_start3A_538 = arith.constant 0 : i32
      %dma_start3A_539 = tpu.memref_slice %arg2[%add3A, %dma_start3A_537, %dma_start3A_538] : memref<32x200x128xi32, #tpu.memory_space<hbm>> -> memref<1x200x128xi32, #tpu.memory_space<hbm>>
      %dma_start3A_540 = tpu.memref_squeeze %dma_start3A_539 : memref<1x200x128xi32, #tpu.memory_space<hbm>> -> memref<200x128xi32, #tpu.memory_space<hbm>>
      tpu.enqueue_dma source(%dma_start3A_540 : memref<200x128xi32, #tpu.memory_space<hbm>>) target(%arg5 : memref<200x128xi32, #tpu.memory_space<vmem>>) target_semaphore(%run_scoped3A : memref<!tpu.dma_semaphore, #tpu.memory_space<semaphore_mem>>)
      %dma_wait3A_541 = arith.constant 0 : i32
      %dma_wait3A_542 = arith.constant 0 : i32
      %dma_wait3A_543 = tpu.memref_slice %arg2[%add3A, %dma_wait3A_541, %dma_wait3A_542] : memref<32x200x128xi32, #tpu.memory_space<hbm>> -> memref<1x200x128xi32, #tpu.memory_space<hbm>>
      %dma_wait3A_544 = tpu.memref_squeeze %dma_wait3A_543 : memref<1x200x128xi32, #tpu.memory_space<hbm>> -> memref<200x128xi32, #tpu.memory_space<hbm>>
      %dma_wait3A_545 = arith.constant 0 : i32
      %dma_wait3A_546 = arith.constant 0 : i32
      %dma_wait3A_547 = tpu.memref_slice %arg2[%add3A, %dma_wait3A_545, %dma_wait3A_546] : memref<32x200x128xi32, #tpu.memory_space<hbm>> -> memref<1x200x128xi32, #tpu.memory_space<hbm>>
      %dma_wait3A_548 = tpu.memref_squeeze %dma_wait3A_547 : memref<1x200x128xi32, #tpu.memory_space<hbm>> -> memref<200x128xi32, #tpu.memory_space<hbm>>
      tpu.wait_dma2 semaphore(%run_scoped3A : memref<!tpu.dma_semaphore, #tpu.memory_space<semaphore_mem>>) src(%dma_wait3A_548 : memref<200x128xi32, #tpu.memory_space<hbm>>) dst(%arg5 : memref<200x128xi32, #tpu.memory_space<vmem>>)
      tpu.yield
    }) : () -> ()
    %dma_start3A = arith.constant 0 : i32
    %dma_start3A_3 = arith.constant 0 : i32
    %dma_start3A_4 = arith.constant 0 : i32
    %dma_start3A_5 = arith.constant 0 : i32
    %dma_start3A_6 = arith.constant 0 : i32
    %dma_start3A_7 = tpu.memref_slice %arg6[%dma_start3A_3, %dma_start3A_5, %dma_start3A_6] : memref<8x128x64xf32, #tpu.memory_space<vmem>> -> memref<1x128x64xf32, #tpu.memory_space<vmem>>
    %dma_start3A_8 = tpu.memref_squeeze %dma_start3A_7 : memref<1x128x64xf32, #tpu.memory_space<vmem>> -> memref<128x64xf32, #tpu.memory_space<vmem>>
    %dma_start3A_9 = arith.constant 0 : i32
    %dma_start3A_10 = tpu.memref_slice %arg5[%dma_start3A, %dma_start3A_9] : memref<200x128xi32, #tpu.memory_space<vmem>> -> memref<1x128xi32, #tpu.memory_space<vmem>>
    %dma_start3A_11 = tpu.memref_squeeze %dma_start3A_10 : memref<1x128xi32, #tpu.memory_space<vmem>> -> memref<128xi32, #tpu.memory_space<vmem>>
    %dma_start3A_12 = arith.constant 0 : i32
    %dma_start3A_13 = arith.constant 0 : i32
    %dma_start3A_14 = tpu.memref_slice %arg3[%dma_start3A_12, %dma_start3A_13] : memref<1000000x64xf32, #tpu.memory_space<hbm>> -> memref<1000000x64xf32, #tpu.memory_space<hbm>>
    %dma_start3A_15 = tpu.memref_slice %arg7[%dma_start3A_4] : memref<8x!tpu.dma_semaphore, #tpu.memory_space<semaphore_mem>> -> memref<1x!tpu.dma_semaphore, #tpu.memory_space<semaphore_mem>>
    %dma_start3A_16 = tpu.memref_squeeze %dma_start3A_15 : memref<1x!tpu.dma_semaphore, #tpu.memory_space<semaphore_mem>> -> memref<!tpu.dma_semaphore, #tpu.memory_space<semaphore_mem>>
    tpu.enqueue_indirect_dma source(%dma_start3A_14 : memref<1000000x64xf32, #tpu.memory_space<hbm>>) target(%dma_start3A_8 : memref<128x64xf32, #tpu.memory_space<vmem>>) offsets(%dma_start3A_11 : memref<128xi32, #tpu.memory_space<vmem>>) semaphore(%dma_start3A_16 : memref<!tpu.dma_semaphore, #tpu.memory_space<semaphore_mem>>)
    %dma_start3A_17 = arith.constant 1 : i32
    %dma_start3A_18 = arith.constant 1 : i32
    %dma_start3A_19 = arith.constant 1 : i32
    %dma_start3A_20 = arith.constant 0 : i32
    %dma_start3A_21 = arith.constant 0 : i32
    %dma_start3A_22 = tpu.memref_slice %arg6[%dma_start3A_18, %dma_start3A_20, %dma_start3A_21] : memref<8x128x64xf32, #tpu.memory_space<vmem>> -> memref<1x128x64xf32, #tpu.memory_space<vmem>>
    %dma_start3A_23 = tpu.memref_squeeze %dma_start3A_22 : memref<1x128x64xf32, #tpu.memory_space<vmem>> -> memref<128x64xf32, #tpu.memory_space<vmem>>
    %dma_start3A_24 = arith.constant 0 : i32
    %dma_start3A_25 = tpu.memref_slice %arg5[%dma_start3A_17, %dma_start3A_24] : memref<200x128xi32, #tpu.memory_space<vmem>> -> memref<1x128xi32, #tpu.memory_space<vmem>>
    %dma_start3A_26 = tpu.memref_squeeze %dma_start3A_25 : memref<1x128xi32, #tpu.memory_space<vmem>> -> memref<128xi32, #tpu.memory_space<vmem>>
    %dma_start3A_27 = arith.constant 0 : i32
    %dma_start3A_28 = arith.constant 0 : i32
    %dma_start3A_29 = tpu.memref_slice %arg3[%dma_start3A_27, %dma_start3A_28] : memref<1000000x64xf32, #tpu.memory_space<hbm>> -> memref<1000000x64xf32, #tpu.memory_space<hbm>>
    %dma_start3A_30 = tpu.memref_slice %arg7[%dma_start3A_19] : memref<8x!tpu.dma_semaphore, #tpu.memory_space<semaphore_mem>> -> memref<1x!tpu.dma_semaphore, #tpu.memory_space<semaphore_mem>>
    %dma_start3A_31 = tpu.memref_squeeze %dma_start3A_30 : memref<1x!tpu.dma_semaphore, #tpu.memory_space<semaphore_mem>> -> memref<!tpu.dma_semaphore, #tpu.memory_space<semaphore_mem>>
    tpu.enqueue_indirect_dma source(%dma_start3A_29 : memref<1000000x64xf32, #tpu.memory_space<hbm>>) target(%dma_start3A_23 : memref<128x64xf32, #tpu.memory_space<vmem>>) offsets(%dma_start3A_26 : memref<128xi32, #tpu.memory_space<vmem>>) semaphore(%dma_start3A_31 : memref<!tpu.dma_semaphore, #tpu.memory_space<semaphore_mem>>)
    %dma_start3A_32 = arith.constant 2 : i32
    %dma_start3A_33 = arith.constant 2 : i32
    %dma_start3A_34 = arith.constant 2 : i32
    %dma_start3A_35 = arith.constant 0 : i32
    %dma_start3A_36 = arith.constant 0 : i32
    %dma_start3A_37 = tpu.memref_slice %arg6[%dma_start3A_33, %dma_start3A_35, %dma_start3A_36] : memref<8x128x64xf32, #tpu.memory_space<vmem>> -> memref<1x128x64xf32, #tpu.memory_space<vmem>>
    %dma_start3A_38 = tpu.memref_squeeze %dma_start3A_37 : memref<1x128x64xf32, #tpu.memory_space<vmem>> -> memref<128x64xf32, #tpu.memory_space<vmem>>
    %dma_start3A_39 = arith.constant 0 : i32
    %dma_start3A_40 = tpu.memref_slice %arg5[%dma_start3A_32, %dma_start3A_39] : memref<200x128xi32, #tpu.memory_space<vmem>> -> memref<1x128xi32, #tpu.memory_space<vmem>>
    %dma_start3A_41 = tpu.memref_squeeze %dma_start3A_40 : memref<1x128xi32, #tpu.memory_space<vmem>> -> memref<128xi32, #tpu.memory_space<vmem>>
    %dma_start3A_42 = arith.constant 0 : i32
    %dma_start3A_43 = arith.constant 0 : i32
    %dma_start3A_44 = tpu.memref_slice %arg3[%dma_start3A_42, %dma_start3A_43] : memref<1000000x64xf32, #tpu.memory_space<hbm>> -> memref<1000000x64xf32, #tpu.memory_space<hbm>>
    %dma_start3A_45 = tpu.memref_slice %arg7[%dma_start3A_34] : memref<8x!tpu.dma_semaphore, #tpu.memory_space<semaphore_mem>> -> memref<1x!tpu.dma_semaphore, #tpu.memory_space<semaphore_mem>>
    %dma_start3A_46 = tpu.memref_squeeze %dma_start3A_45 : memref<1x!tpu.dma_semaphore, #tpu.memory_space<semaphore_mem>> -> memref<!tpu.dma_semaphore, #tpu.memory_space<semaphore_mem>>
    tpu.enqueue_indirect_dma source(%dma_start3A_44 : memref<1000000x64xf32, #tpu.memory_space<hbm>>) target(%dma_start3A_38 : memref<128x64xf32, #tpu.memory_space<vmem>>) offsets(%dma_start3A_41 : memref<128xi32, #tpu.memory_space<vmem>>) semaphore(%dma_start3A_46 : memref<!tpu.dma_semaphore, #tpu.memory_space<semaphore_mem>>)
    %dma_start3A_47 = arith.constant 3 : i32
    %dma_start3A_48 = arith.constant 3 : i32
    %dma_start3A_49 = arith.constant 3 : i32
    %dma_start3A_50 = arith.constant 0 : i32
    %dma_start3A_51 = arith.constant 0 : i32
    %dma_start3A_52 = tpu.memref_slice %arg6[%dma_start3A_48, %dma_start3A_50, %dma_start3A_51] : memref<8x128x64xf32, #tpu.memory_space<vmem>> -> memref<1x128x64xf32, #tpu.memory_space<vmem>>
    %dma_start3A_53 = tpu.memref_squeeze %dma_start3A_52 : memref<1x128x64xf32, #tpu.memory_space<vmem>> -> memref<128x64xf32, #tpu.memory_space<vmem>>
    %dma_start3A_54 = arith.constant 0 : i32
    %dma_start3A_55 = tpu.memref_slice %arg5[%dma_start3A_47, %dma_start3A_54] : memref<200x128xi32, #tpu.memory_space<vmem>> -> memref<1x128xi32, #tpu.memory_space<vmem>>
    %dma_start3A_56 = tpu.memref_squeeze %dma_start3A_55 : memref<1x128xi32, #tpu.memory_space<vmem>> -> memref<128xi32, #tpu.memory_space<vmem>>
    %dma_start3A_57 = arith.constant 0 : i32
    %dma_start3A_58 = arith.constant 0 : i32
    %dma_start3A_59 = tpu.memref_slice %arg3[%dma_start3A_57, %dma_start3A_58] : memref<1000000x64xf32, #tpu.memory_space<hbm>> -> memref<1000000x64xf32, #tpu.memory_space<hbm>>
    %dma_start3A_60 = tpu.memref_slice %arg7[%dma_start3A_49] : memref<8x!tpu.dma_semaphore, #tpu.memory_space<semaphore_mem>> -> memref<1x!tpu.dma_semaphore, #tpu.memory_space<semaphore_mem>>
    %dma_start3A_61 = tpu.memref_squeeze %dma_start3A_60 : memref<1x!tpu.dma_semaphore, #tpu.memory_space<semaphore_mem>> -> memref<!tpu.dma_semaphore, #tpu.memory_space<semaphore_mem>>
    tpu.enqueue_indirect_dma source(%dma_start3A_59 : memref<1000000x64xf32, #tpu.memory_space<hbm>>) target(%dma_start3A_53 : memref<128x64xf32, #tpu.memory_space<vmem>>) offsets(%dma_start3A_56 : memref<128xi32, #tpu.memory_space<vmem>>) semaphore(%dma_start3A_61 : memref<!tpu.dma_semaphore, #tpu.memory_space<semaphore_mem>>)
    %dma_start3A_62 = arith.constant 4 : i32
    %dma_start3A_63 = arith.constant 4 : i32
    %dma_start3A_64 = arith.constant 4 : i32
    %dma_start3A_65 = arith.constant 0 : i32
    %dma_start3A_66 = arith.constant 0 : i32
    %dma_start3A_67 = tpu.memref_slice %arg6[%dma_start3A_63, %dma_start3A_65, %dma_start3A_66] : memref<8x128x64xf32, #tpu.memory_space<vmem>> -> memref<1x128x64xf32, #tpu.memory_space<vmem>>
    %dma_start3A_68 = tpu.memref_squeeze %dma_start3A_67 : memref<1x128x64xf32, #tpu.memory_space<vmem>> -> memref<128x64xf32, #tpu.memory_space<vmem>>
    %dma_start3A_69 = arith.constant 0 : i32
    %dma_start3A_70 = tpu.memref_slice %arg5[%dma_start3A_62, %dma_start3A_69] : memref<200x128xi32, #tpu.memory_space<vmem>> -> memref<1x128xi32, #tpu.memory_space<vmem>>
    %dma_start3A_71 = tpu.memref_squeeze %dma_start3A_70 : memref<1x128xi32, #tpu.memory_space<vmem>> -> memref<128xi32, #tpu.memory_space<vmem>>
    %dma_start3A_72 = arith.constant 0 : i32
    %dma_start3A_73 = arith.constant 0 : i32
    %dma_start3A_74 = tpu.memref_slice %arg3[%dma_start3A_72, %dma_start3A_73] : memref<1000000x64xf32, #tpu.memory_space<hbm>> -> memref<1000000x64xf32, #tpu.memory_space<hbm>>
    %dma_start3A_75 = tpu.memref_slice %arg7[%dma_start3A_64] : memref<8x!tpu.dma_semaphore, #tpu.memory_space<semaphore_mem>> -> memref<1x!tpu.dma_semaphore, #tpu.memory_space<semaphore_mem>>
    %dma_start3A_76 = tpu.memref_squeeze %dma_start3A_75 : memref<1x!tpu.dma_semaphore, #tpu.memory_space<semaphore_mem>> -> memref<!tpu.dma_semaphore, #tpu.memory_space<semaphore_mem>>
    tpu.enqueue_indirect_dma source(%dma_start3A_74 : memref<1000000x64xf32, #tpu.memory_space<hbm>>) target(%dma_start3A_68 : memref<128x64xf32, #tpu.memory_space<vmem>>) offsets(%dma_start3A_71 : memref<128xi32, #tpu.memory_space<vmem>>) semaphore(%dma_start3A_76 : memref<!tpu.dma_semaphore, #tpu.memory_space<semaphore_mem>>)
    %dma_start3A_77 = arith.constant 5 : i32
    %dma_start3A_78 = arith.constant 5 : i32
    %dma_start3A_79 = arith.constant 5 : i32
    %dma_start3A_80 = arith.constant 0 : i32
    %dma_start3A_81 = arith.constant 0 : i32
    %dma_start3A_82 = tpu.memref_slice %arg6[%dma_start3A_78, %dma_start3A_80, %dma_start3A_81] : memref<8x128x64xf32, #tpu.memory_space<vmem>> -> memref<1x128x64xf32, #tpu.memory_space<vmem>>
    %dma_start3A_83 = tpu.memref_squeeze %dma_start3A_82 : memref<1x128x64xf32, #tpu.memory_space<vmem>> -> memref<128x64xf32, #tpu.memory_space<vmem>>
    %dma_start3A_84 = arith.constant 0 : i32
    %dma_start3A_85 = tpu.memref_slice %arg5[%dma_start3A_77, %dma_start3A_84] : memref<200x128xi32, #tpu.memory_space<vmem>> -> memref<1x128xi32, #tpu.memory_space<vmem>>
    %dma_start3A_86 = tpu.memref_squeeze %dma_start3A_85 : memref<1x128xi32, #tpu.memory_space<vmem>> -> memref<128xi32, #tpu.memory_space<vmem>>
    %dma_start3A_87 = arith.constant 0 : i32
    %dma_start3A_88 = arith.constant 0 : i32
    %dma_start3A_89 = tpu.memref_slice %arg3[%dma_start3A_87, %dma_start3A_88] : memref<1000000x64xf32, #tpu.memory_space<hbm>> -> memref<1000000x64xf32, #tpu.memory_space<hbm>>
    %dma_start3A_90 = tpu.memref_slice %arg7[%dma_start3A_79] : memref<8x!tpu.dma_semaphore, #tpu.memory_space<semaphore_mem>> -> memref<1x!tpu.dma_semaphore, #tpu.memory_space<semaphore_mem>>
    %dma_start3A_91 = tpu.memref_squeeze %dma_start3A_90 : memref<1x!tpu.dma_semaphore, #tpu.memory_space<semaphore_mem>> -> memref<!tpu.dma_semaphore, #tpu.memory_space<semaphore_mem>>
    tpu.enqueue_indirect_dma source(%dma_start3A_89 : memref<1000000x64xf32, #tpu.memory_space<hbm>>) target(%dma_start3A_83 : memref<128x64xf32, #tpu.memory_space<vmem>>) offsets(%dma_start3A_86 : memref<128xi32, #tpu.memory_space<vmem>>) semaphore(%dma_start3A_91 : memref<!tpu.dma_semaphore, #tpu.memory_space<semaphore_mem>>)
    %dma_wait3A = arith.constant 0 : i32
    %dma_wait3A_92 = arith.constant 0 : i32
    %dma_wait3A_93 = arith.constant 0 : i32
    %dma_wait3A_94 = arith.constant 0 : i32
    %dma_wait3A_95 = arith.constant 0 : i32
    %dma_wait3A_96 = tpu.memref_slice %arg6[%dma_wait3A_92, %dma_wait3A_94, %dma_wait3A_95] : memref<8x128x64xf32, #tpu.memory_space<vmem>> -> memref<1x128x64xf32, #tpu.memory_space<vmem>>
    %dma_wait3A_97 = tpu.memref_squeeze %dma_wait3A_96 : memref<1x128x64xf32, #tpu.memory_space<vmem>> -> memref<128x64xf32, #tpu.memory_space<vmem>>
    %dma_wait3A_98 = arith.constant 0 : i32
    %dma_wait3A_99 = tpu.memref_slice %arg5[%dma_wait3A, %dma_wait3A_98] : memref<200x128xi32, #tpu.memory_space<vmem>> -> memref<1x128xi32, #tpu.memory_space<vmem>>
    %dma_wait3A_100 = tpu.memref_squeeze %dma_wait3A_99 : memref<1x128xi32, #tpu.memory_space<vmem>> -> memref<128xi32, #tpu.memory_space<vmem>>
    %dma_wait3A_101 = arith.constant 0 : i32
    %dma_wait3A_102 = arith.constant 0 : i32
    %dma_wait3A_103 = tpu.memref_slice %arg3[%dma_wait3A_101, %dma_wait3A_102] : memref<1000000x64xf32, #tpu.memory_space<hbm>> -> memref<1000000x64xf32, #tpu.memory_space<hbm>>
    %dma_wait3A_104 = tpu.memref_slice %arg7[%dma_wait3A_93] : memref<8x!tpu.dma_semaphore, #tpu.memory_space<semaphore_mem>> -> memref<1x!tpu.dma_semaphore, #tpu.memory_space<semaphore_mem>>
    %dma_wait3A_105 = tpu.memref_squeeze %dma_wait3A_104 : memref<1x!tpu.dma_semaphore, #tpu.memory_space<semaphore_mem>> -> memref<!tpu.dma_semaphore, #tpu.memory_space<semaphore_mem>>
    tpu.wait_indirect_dma semaphore(%dma_wait3A_105 : memref<!tpu.dma_semaphore, #tpu.memory_space<semaphore_mem>>) src(%dma_wait3A_103 : memref<1000000x64xf32, #tpu.memory_space<hbm>>) dst(%dma_wait3A_97 : memref<128x64xf32, #tpu.memory_space<vmem>>)
    %add3A_106 = arith.constant 0 : i32
    %add3A_107 = arith.addi %mul3A_2, %add3A_106 : i32
    %dma_start3A_108 = arith.constant 0 : i32
    %dma_start3A_109 = arith.constant 0 : i32
    %dma_start3A_110 = arith.constant 0 : i32
    %dma_start3A_111 = arith.constant 0 : i32
    %dma_start3A_112 = tpu.memref_slice %arg6[%dma_start3A_108, %dma_start3A_110, %dma_start3A_111] : memref<8x128x64xf32, #tpu.memory_space<vmem>> -> memref<1x128x64xf32, #tpu.memory_space<vmem>>
    %dma_start3A_113 = tpu.memref_squeeze %dma_start3A_112 : memref<1x128x64xf32, #tpu.memory_space<vmem>> -> memref<128x64xf32, #tpu.memory_space<vmem>>
    %dma_start3A_114 = arith.constant 0 : i32
    %dma_start3A_115 = tpu.memref_slice %arg4[%add3A_107, %dma_start3A_114] : memref<819200x64xf32, #tpu.memory_space<hbm>> -> memref<128x64xf32, #tpu.memory_space<hbm>>
    %dma_start3A_116 = tpu.memref_slice %arg8[%dma_start3A_109] : memref<8x!tpu.dma_semaphore, #tpu.memory_space<semaphore_mem>> -> memref<1x!tpu.dma_semaphore, #tpu.memory_space<semaphore_mem>>
    %dma_start3A_117 = tpu.memref_squeeze %dma_start3A_116 : memref<1x!tpu.dma_semaphore, #tpu.memory_space<semaphore_mem>> -> memref<!tpu.dma_semaphore, #tpu.memory_space<semaphore_mem>>
    %dma_start3A_118 = arith.constant 0 : i32
    %dma_start3A_119 = tpu.memref_slice %arg4[%add3A_107, %dma_start3A_118] : memref<819200x64xf32, #tpu.memory_space<hbm>> -> memref<128x64xf32, #tpu.memory_space<hbm>>
    %dma_start3A_120 = arith.constant 0 : i32
    %dma_start3A_121 = arith.constant 0 : i32
    %dma_start3A_122 = tpu.memref_slice %arg6[%dma_start3A_108, %dma_start3A_120, %dma_start3A_121] : memref<8x128x64xf32, #tpu.memory_space<vmem>> -> memref<1x128x64xf32, #tpu.memory_space<vmem>>
    %dma_start3A_123 = tpu.memref_squeeze %dma_start3A_122 : memref<1x128x64xf32, #tpu.memory_space<vmem>> -> memref<128x64xf32, #tpu.memory_space<vmem>>
    tpu.enqueue_dma source(%dma_start3A_123 : memref<128x64xf32, #tpu.memory_space<vmem>>) target(%dma_start3A_119 : memref<128x64xf32, #tpu.memory_space<hbm>>) target_semaphore(%dma_start3A_117 : memref<!tpu.dma_semaphore, #tpu.memory_space<semaphore_mem>>)
    %dma_start3A_124 = arith.constant 6 : i32
    %dma_start3A_125 = arith.constant 6 : i32
    %dma_start3A_126 = arith.constant 6 : i32
    %dma_start3A_127 = arith.constant 0 : i32
    %dma_start3A_128 = arith.constant 0 : i32
    %dma_start3A_129 = tpu.memref_slice %arg6[%dma_start3A_125, %dma_start3A_127, %dma_start3A_128] : memref<8x128x64xf32, #tpu.memory_space<vmem>> -> memref<1x128x64xf32, #tpu.memory_space<vmem>>
    %dma_start3A_130 = tpu.memref_squeeze %dma_start3A_129 : memref<1x128x64xf32, #tpu.memory_space<vmem>> -> memref<128x64xf32, #tpu.memory_space<vmem>>
    %dma_start3A_131 = arith.constant 0 : i32
    %dma_start3A_132 = tpu.memref_slice %arg5[%dma_start3A_124, %dma_start3A_131] : memref<200x128xi32, #tpu.memory_space<vmem>> -> memref<1x128xi32, #tpu.memory_space<vmem>>
    %dma_start3A_133 = tpu.memref_squeeze %dma_start3A_132 : memref<1x128xi32, #tpu.memory_space<vmem>> -> memref<128xi32, #tpu.memory_space<vmem>>
    %dma_start3A_134 = arith.constant 0 : i32
    %dma_start3A_135 = arith.constant 0 : i32
    %dma_start3A_136 = tpu.memref_slice %arg3[%dma_start3A_134, %dma_start3A_135] : memref<1000000x64xf32, #tpu.memory_space<hbm>> -> memref<1000000x64xf32, #tpu.memory_space<hbm>>
    %dma_start3A_137 = tpu.memref_slice %arg7[%dma_start3A_126] : memref<8x!tpu.dma_semaphore, #tpu.memory_space<semaphore_mem>> -> memref<1x!tpu.dma_semaphore, #tpu.memory_space<semaphore_mem>>
    %dma_start3A_138 = tpu.memref_squeeze %dma_start3A_137 : memref<1x!tpu.dma_semaphore, #tpu.memory_space<semaphore_mem>> -> memref<!tpu.dma_semaphore, #tpu.memory_space<semaphore_mem>>
    tpu.enqueue_indirect_dma source(%dma_start3A_136 : memref<1000000x64xf32, #tpu.memory_space<hbm>>) target(%dma_start3A_130 : memref<128x64xf32, #tpu.memory_space<vmem>>) offsets(%dma_start3A_133 : memref<128xi32, #tpu.memory_space<vmem>>) semaphore(%dma_start3A_138 : memref<!tpu.dma_semaphore, #tpu.memory_space<semaphore_mem>>)
    %dma_wait3A_139 = arith.constant 1 : i32
    %dma_wait3A_140 = arith.constant 1 : i32
    %dma_wait3A_141 = arith.constant 1 : i32
    %dma_wait3A_142 = arith.constant 0 : i32
    %dma_wait3A_143 = arith.constant 0 : i32
    %dma_wait3A_144 = tpu.memref_slice %arg6[%dma_wait3A_140, %dma_wait3A_142, %dma_wait3A_143] : memref<8x128x64xf32, #tpu.memory_space<vmem>> -> memref<1x128x64xf32, #tpu.memory_space<vmem>>
    %dma_wait3A_145 = tpu.memref_squeeze %dma_wait3A_144 : memref<1x128x64xf32, #tpu.memory_space<vmem>> -> memref<128x64xf32, #tpu.memory_space<vmem>>
    %dma_wait3A_146 = arith.constant 0 : i32
    %dma_wait3A_147 = tpu.memref_slice %arg5[%dma_wait3A_139, %dma_wait3A_146] : memref<200x128xi32, #tpu.memory_space<vmem>> -> memref<1x128xi32, #tpu.memory_space<vmem>>
    %dma_wait3A_148 = tpu.memref_squeeze %dma_wait3A_147 : memref<1x128xi32, #tpu.memory_space<vmem>> -> memref<128xi32, #tpu.memory_space<vmem>>
    %dma_wait3A_149 = arith.constant 0 : i32
    %dma_wait3A_150 = arith.constant 0 : i32
    %dma_wait3A_151 = tpu.memref_slice %arg3[%dma_wait3A_149, %dma_wait3A_150] : memref<1000000x64xf32, #tpu.memory_space<hbm>> -> memref<1000000x64xf32, #tpu.memory_space<hbm>>
    %dma_wait3A_152 = tpu.memref_slice %arg7[%dma_wait3A_141] : memref<8x!tpu.dma_semaphore, #tpu.memory_space<semaphore_mem>> -> memref<1x!tpu.dma_semaphore, #tpu.memory_space<semaphore_mem>>
    %dma_wait3A_153 = tpu.memref_squeeze %dma_wait3A_152 : memref<1x!tpu.dma_semaphore, #tpu.memory_space<semaphore_mem>> -> memref<!tpu.dma_semaphore, #tpu.memory_space<semaphore_mem>>
    tpu.wait_indirect_dma semaphore(%dma_wait3A_153 : memref<!tpu.dma_semaphore, #tpu.memory_space<semaphore_mem>>) src(%dma_wait3A_151 : memref<1000000x64xf32, #tpu.memory_space<hbm>>) dst(%dma_wait3A_145 : memref<128x64xf32, #tpu.memory_space<vmem>>)
    %add3A_154 = arith.constant 128 : i32
    %add3A_155 = arith.addi %mul3A_2, %add3A_154 : i32
    %dma_start3A_156 = arith.constant 1 : i32
    %dma_start3A_157 = arith.constant 1 : i32
    %dma_start3A_158 = arith.constant 0 : i32
    %dma_start3A_159 = arith.constant 0 : i32
    %dma_start3A_160 = tpu.memref_slice %arg6[%dma_start3A_156, %dma_start3A_158, %dma_start3A_159] : memref<8x128x64xf32, #tpu.memory_space<vmem>> -> memref<1x128x64xf32, #tpu.memory_space<vmem>>
    %dma_start3A_161 = tpu.memref_squeeze %dma_start3A_160 : memref<1x128x64xf32, #tpu.memory_space<vmem>> -> memref<128x64xf32, #tpu.memory_space<vmem>>
    %dma_start3A_162 = arith.constant 0 : i32
    %dma_start3A_163 = tpu.memref_slice %arg4[%add3A_155, %dma_start3A_162] : memref<819200x64xf32, #tpu.memory_space<hbm>> -> memref<128x64xf32, #tpu.memory_space<hbm>>
    %dma_start3A_164 = tpu.memref_slice %arg8[%dma_start3A_157] : memref<8x!tpu.dma_semaphore, #tpu.memory_space<semaphore_mem>> -> memref<1x!tpu.dma_semaphore, #tpu.memory_space<semaphore_mem>>
    %dma_start3A_165 = tpu.memref_squeeze %dma_start3A_164 : memref<1x!tpu.dma_semaphore, #tpu.memory_space<semaphore_mem>> -> memref<!tpu.dma_semaphore, #tpu.memory_space<semaphore_mem>>
    %dma_start3A_166 = arith.constant 0 : i32
    %dma_start3A_167 = tpu.memref_slice %arg4[%add3A_155, %dma_start3A_166] : memref<819200x64xf32, #tpu.memory_space<hbm>> -> memref<128x64xf32, #tpu.memory_space<hbm>>
    %dma_start3A_168 = arith.constant 0 : i32
    %dma_start3A_169 = arith.constant 0 : i32
    %dma_start3A_170 = tpu.memref_slice %arg6[%dma_start3A_156, %dma_start3A_168, %dma_start3A_169] : memref<8x128x64xf32, #tpu.memory_space<vmem>> -> memref<1x128x64xf32, #tpu.memory_space<vmem>>
    %dma_start3A_171 = tpu.memref_squeeze %dma_start3A_170 : memref<1x128x64xf32, #tpu.memory_space<vmem>> -> memref<128x64xf32, #tpu.memory_space<vmem>>
    tpu.enqueue_dma source(%dma_start3A_171 : memref<128x64xf32, #tpu.memory_space<vmem>>) target(%dma_start3A_167 : memref<128x64xf32, #tpu.memory_space<hbm>>) target_semaphore(%dma_start3A_165 : memref<!tpu.dma_semaphore, #tpu.memory_space<semaphore_mem>>)
    %dma_start3A_172 = arith.constant 7 : i32
    %dma_start3A_173 = arith.constant 7 : i32
    %dma_start3A_174 = arith.constant 7 : i32
    %dma_start3A_175 = arith.constant 0 : i32
    %dma_start3A_176 = arith.constant 0 : i32
    %dma_start3A_177 = tpu.memref_slice %arg6[%dma_start3A_173, %dma_start3A_175, %dma_start3A_176] : memref<8x128x64xf32, #tpu.memory_space<vmem>> -> memref<1x128x64xf32, #tpu.memory_space<vmem>>
    %dma_start3A_178 = tpu.memref_squeeze %dma_start3A_177 : memref<1x128x64xf32, #tpu.memory_space<vmem>> -> memref<128x64xf32, #tpu.memory_space<vmem>>
    %dma_start3A_179 = arith.constant 0 : i32
    %dma_start3A_180 = tpu.memref_slice %arg5[%dma_start3A_172, %dma_start3A_179] : memref<200x128xi32, #tpu.memory_space<vmem>> -> memref<1x128xi32, #tpu.memory_space<vmem>>
    %dma_start3A_181 = tpu.memref_squeeze %dma_start3A_180 : memref<1x128xi32, #tpu.memory_space<vmem>> -> memref<128xi32, #tpu.memory_space<vmem>>
    %dma_start3A_182 = arith.constant 0 : i32
    %dma_start3A_183 = arith.constant 0 : i32
    %dma_start3A_184 = tpu.memref_slice %arg3[%dma_start3A_182, %dma_start3A_183] : memref<1000000x64xf32, #tpu.memory_space<hbm>> -> memref<1000000x64xf32, #tpu.memory_space<hbm>>
    %dma_start3A_185 = tpu.memref_slice %arg7[%dma_start3A_174] : memref<8x!tpu.dma_semaphore, #tpu.memory_space<semaphore_mem>> -> memref<1x!tpu.dma_semaphore, #tpu.memory_space<semaphore_mem>>
    %dma_start3A_186 = tpu.memref_squeeze %dma_start3A_185 : memref<1x!tpu.dma_semaphore, #tpu.memory_space<semaphore_mem>> -> memref<!tpu.dma_semaphore, #tpu.memory_space<semaphore_mem>>
    tpu.enqueue_indirect_dma source(%dma_start3A_184 : memref<1000000x64xf32, #tpu.memory_space<hbm>>) target(%dma_start3A_178 : memref<128x64xf32, #tpu.memory_space<vmem>>) offsets(%dma_start3A_181 : memref<128xi32, #tpu.memory_space<vmem>>) semaphore(%dma_start3A_186 : memref<!tpu.dma_semaphore, #tpu.memory_space<semaphore_mem>>)
    %scan3A = arith.constant 0 : i32
    %scan3A_187 = arith.constant 24 : i32
    %scan3A_188 = arith.addi %scan3A, %scan3A_187 : i32
    %scan3A_189 = arith.constant 1 : i32
    scf.for %scan3A_533 = %scan3A to %scan3A_188 step %scan3A_189  : i32 {
      %mul3A_534 = arith.constant 1 : i32
      %mul3A_535 = arith.muli %scan3A_533, %mul3A_534 : i32
      %add3A_536 = arith.constant 0 : i32
      %add3A_537 = arith.addi %add3A_536, %mul3A_535 : i32
      %mul3A_538 = arith.constant 8 : i32
      %mul3A_539 = arith.muli %add3A_537, %mul3A_538 : i32
      %add3A_540 = arith.constant 2 : i32
      %add3A_541 = arith.addi %add3A_540, %mul3A_539 : i32
      %add3A_542 = arith.constant 0 : i32
      %add3A_543 = arith.addi %add3A_541, %add3A_542 : i32
      %dma_wait3A_544 = arith.constant 2 : i32
      %dma_wait3A_545 = arith.constant 2 : i32
      %dma_wait3A_546 = arith.constant 0 : i32
      %dma_wait3A_547 = arith.constant 0 : i32
      %dma_wait3A_548 = tpu.memref_slice %arg6[%dma_wait3A_544, %dma_wait3A_546, %dma_wait3A_547] : memref<8x128x64xf32, #tpu.memory_space<vmem>> -> memref<1x128x64xf32, #tpu.memory_space<vmem>>
      %dma_wait3A_549 = tpu.memref_squeeze %dma_wait3A_548 : memref<1x128x64xf32, #tpu.memory_space<vmem>> -> memref<128x64xf32, #tpu.memory_space<vmem>>
      %dma_wait3A_550 = arith.constant 0 : i32
      %dma_wait3A_551 = tpu.memref_slice %arg5[%add3A_543, %dma_wait3A_550] : memref<200x128xi32, #tpu.memory_space<vmem>> -> memref<1x128xi32, #tpu.memory_space<vmem>>
      %dma_wait3A_552 = tpu.memref_squeeze %dma_wait3A_551 : memref<1x128xi32, #tpu.memory_space<vmem>> -> memref<128xi32, #tpu.memory_space<vmem>>
      %dma_wait3A_553 = arith.constant 0 : i32
      %dma_wait3A_554 = arith.constant 0 : i32
      %dma_wait3A_555 = tpu.memref_slice %arg3[%dma_wait3A_553, %dma_wait3A_554] : memref<1000000x64xf32, #tpu.memory_space<hbm>> -> memref<1000000x64xf32, #tpu.memory_space<hbm>>
      %dma_wait3A_556 = tpu.memref_slice %arg7[%dma_wait3A_545] : memref<8x!tpu.dma_semaphore, #tpu.memory_space<semaphore_mem>> -> memref<1x!tpu.dma_semaphore, #tpu.memory_space<semaphore_mem>>
      %dma_wait3A_557 = tpu.memref_squeeze %dma_wait3A_556 : memref<1x!tpu.dma_semaphore, #tpu.memory_space<semaphore_mem>> -> memref<!tpu.dma_semaphore, #tpu.memory_space<semaphore_mem>>
      tpu.wait_indirect_dma semaphore(%dma_wait3A_557 : memref<!tpu.dma_semaphore, #tpu.memory_space<semaphore_mem>>) src(%dma_wait3A_555 : memref<1000000x64xf32, #tpu.memory_space<hbm>>) dst(%dma_wait3A_549 : memref<128x64xf32, #tpu.memory_space<vmem>>)
      %mul3A_558 = arith.constant 128 : i32
      %mul3A_559 = arith.muli %add3A_543, %mul3A_558 : i32
      %add3A_560 = arith.addi %mul3A_2, %mul3A_559 : i32
      %dma_start3A_561 = arith.constant 2 : i32
      %dma_start3A_562 = arith.constant 2 : i32
      %dma_start3A_563 = arith.constant 0 : i32
      %dma_start3A_564 = arith.constant 0 : i32
      %dma_start3A_565 = tpu.memref_slice %arg6[%dma_start3A_561, %dma_start3A_563, %dma_start3A_564] : memref<8x128x64xf32, #tpu.memory_space<vmem>> -> memref<1x128x64xf32, #tpu.memory_space<vmem>>
      %dma_start3A_566 = tpu.memref_squeeze %dma_start3A_565 : memref<1x128x64xf32, #tpu.memory_space<vmem>> -> memref<128x64xf32, #tpu.memory_space<vmem>>
      %dma_start3A_567 = arith.constant 0 : i32
      %dma_start3A_568 = tpu.memref_slice %arg4[%add3A_560, %dma_start3A_567] : memref<819200x64xf32, #tpu.memory_space<hbm>> -> memref<128x64xf32, #tpu.memory_space<hbm>>
      %dma_start3A_569 = tpu.memref_slice %arg8[%dma_start3A_562] : memref<8x!tpu.dma_semaphore, #tpu.memory_space<semaphore_mem>> -> memref<1x!tpu.dma_semaphore, #tpu.memory_space<semaphore_mem>>
      %dma_start3A_570 = tpu.memref_squeeze %dma_start3A_569 : memref<1x!tpu.dma_semaphore, #tpu.memory_space<semaphore_mem>> -> memref<!tpu.dma_semaphore, #tpu.memory_space<semaphore_mem>>
      %dma_start3A_571 = arith.constant 0 : i32
      %dma_start3A_572 = tpu.memref_slice %arg4[%add3A_560, %dma_start3A_571] : memref<819200x64xf32, #tpu.memory_space<hbm>> -> memref<128x64xf32, #tpu.memory_space<hbm>>
      %dma_start3A_573 = arith.constant 0 : i32
      %dma_start3A_574 = arith.constant 0 : i32
      %dma_start3A_575 = tpu.memref_slice %arg6[%dma_start3A_561, %dma_start3A_573, %dma_start3A_574] : memref<8x128x64xf32, #tpu.memory_space<vmem>> -> memref<1x128x64xf32, #tpu.memory_space<vmem>>
      %dma_start3A_576 = tpu.memref_squeeze %dma_start3A_575 : memref<1x128x64xf32, #tpu.memory_space<vmem>> -> memref<128x64xf32, #tpu.memory_space<vmem>>
      tpu.enqueue_dma source(%dma_start3A_576 : memref<128x64xf32, #tpu.memory_space<vmem>>) target(%dma_start3A_572 : memref<128x64xf32, #tpu.memory_space<hbm>>) target_semaphore(%dma_start3A_570 : memref<!tpu.dma_semaphore, #tpu.memory_space<semaphore_mem>>)
      %sub3A = arith.constant 2 : i32
      %sub3A_577 = arith.subi %add3A_543, %sub3A : i32
      %mul3A_578 = arith.constant 128 : i32
      %mul3A_579 = arith.muli %sub3A_577, %mul3A_578 : i32
      %add3A_580 = arith.addi %mul3A_2, %mul3A_579 : i32
      %dma_wait3A_581 = arith.constant 0 : i32
      %dma_wait3A_582 = arith.constant 0 : i32
      %dma_wait3A_583 = arith.constant 0 : i32
      %dma_wait3A_584 = arith.constant 0 : i32
      %dma_wait3A_585 = tpu.memref_slice %arg6[%dma_wait3A_581, %dma_wait3A_583, %dma_wait3A_584] : memref<8x128x64xf32, #tpu.memory_space<vmem>> -> memref<1x128x64xf32, #tpu.memory_space<vmem>>
      %dma_wait3A_586 = tpu.memref_squeeze %dma_wait3A_585 : memref<1x128x64xf32, #tpu.memory_space<vmem>> -> memref<128x64xf32, #tpu.memory_space<vmem>>
      %dma_wait3A_587 = arith.constant 0 : i32
      %dma_wait3A_588 = tpu.memref_slice %arg4[%add3A_580, %dma_wait3A_587] : memref<819200x64xf32, #tpu.memory_space<hbm>> -> memref<128x64xf32, #tpu.memory_space<hbm>>
      %dma_wait3A_589 = tpu.memref_slice %arg8[%dma_wait3A_582] : memref<8x!tpu.dma_semaphore, #tpu.memory_space<semaphore_mem>> -> memref<1x!tpu.dma_semaphore, #tpu.memory_space<semaphore_mem>>
      %dma_wait3A_590 = tpu.memref_squeeze %dma_wait3A_589 : memref<1x!tpu.dma_semaphore, #tpu.memory_space<semaphore_mem>> -> memref<!tpu.dma_semaphore, #tpu.memory_space<semaphore_mem>>
      %dma_wait3A_591 = arith.constant 0 : i32
      %dma_wait3A_592 = tpu.memref_slice %arg4[%add3A_580, %dma_wait3A_591] : memref<819200x64xf32, #tpu.memory_space<hbm>> -> memref<128x64xf32, #tpu.memory_space<hbm>>
      %dma_wait3A_593 = arith.constant 0 : i32
      %dma_wait3A_594 = arith.constant 0 : i32
      %dma_wait3A_595 = tpu.memref_slice %arg6[%dma_wait3A_581, %dma_wait3A_593, %dma_wait3A_594] : memref<8x128x64xf32, #tpu.memory_space<vmem>> -> memref<1x128x64xf32, #tpu.memory_space<vmem>>
      %dma_wait3A_596 = tpu.memref_squeeze %dma_wait3A_595 : memref<1x128x64xf32, #tpu.memory_space<vmem>> -> memref<128x64xf32, #tpu.memory_space<vmem>>
      tpu.wait_dma2 semaphore(%dma_wait3A_590 : memref<!tpu.dma_semaphore, #tpu.memory_space<semaphore_mem>>) src(%dma_wait3A_596 : memref<128x64xf32, #tpu.memory_space<vmem>>) dst(%dma_wait3A_592 : memref<128x64xf32, #tpu.memory_space<hbm>>)
      %add3A_597 = arith.constant 8 : i32
      %add3A_598 = arith.addi %add3A_543, %add3A_597 : i32
      %sub3A_599 = arith.constant 2 : i32
      %sub3A_600 = arith.subi %add3A_598, %sub3A_599 : i32
      %dma_start3A_601 = arith.constant 0 : i32
      %dma_start3A_602 = arith.constant 0 : i32
      %dma_start3A_603 = arith.constant 0 : i32
      %dma_start3A_604 = arith.constant 0 : i32
      %dma_start3A_605 = tpu.memref_slice %arg6[%dma_start3A_601, %dma_start3A_603, %dma_start3A_604] : memref<8x128x64xf32, #tpu.memory_space<vmem>> -> memref<1x128x64xf32, #tpu.memory_space<vmem>>
      %dma_start3A_606 = tpu.memref_squeeze %dma_start3A_605 : memref<1x128x64xf32, #tpu.memory_space<vmem>> -> memref<128x64xf32, #tpu.memory_space<vmem>>
      %dma_start3A_607 = arith.constant 0 : i32
      %dma_start3A_608 = tpu.memref_slice %arg5[%sub3A_600, %dma_start3A_607] : memref<200x128xi32, #tpu.memory_space<vmem>> -> memref<1x128xi32, #tpu.memory_space<vmem>>
      %dma_start3A_609 = tpu.memref_squeeze %dma_start3A_608 : memref<1x128xi32, #tpu.memory_space<vmem>> -> memref<128xi32, #tpu.memory_space<vmem>>
      %dma_start3A_610 = arith.constant 0 : i32
      %dma_start3A_611 = arith.constant 0 : i32
      %dma_start3A_612 = tpu.memref_slice %arg3[%dma_start3A_610, %dma_start3A_611] : memref<1000000x64xf32, #tpu.memory_space<hbm>> -> memref<1000000x64xf32, #tpu.memory_space<hbm>>
      %dma_start3A_613 = tpu.memref_slice %arg7[%dma_start3A_602] : memref<8x!tpu.dma_semaphore, #tpu.memory_space<semaphore_mem>> -> memref<1x!tpu.dma_semaphore, #tpu.memory_space<semaphore_mem>>
      %dma_start3A_614 = tpu.memref_squeeze %dma_start3A_613 : memref<1x!tpu.dma_semaphore, #tpu.memory_space<semaphore_mem>> -> memref<!tpu.dma_semaphore, #tpu.memory_space<semaphore_mem>>
      tpu.enqueue_indirect_dma source(%dma_start3A_612 : memref<1000000x64xf32, #tpu.memory_space<hbm>>) target(%dma_start3A_606 : memref<128x64xf32, #tpu.memory_space<vmem>>) offsets(%dma_start3A_609 : memref<128xi32, #tpu.memory_space<vmem>>) semaphore(%dma_start3A_614 : memref<!tpu.dma_semaphore, #tpu.memory_space<semaphore_mem>>)
      %mul3A_615 = arith.constant 8 : i32
      %mul3A_616 = arith.muli %add3A_537, %mul3A_615 : i32
      %add3A_617 = arith.constant 2 : i32
      %add3A_618 = arith.addi %add3A_617, %mul3A_616 : i32
      %add3A_619 = arith.constant 1 : i32
      %add3A_620 = arith.addi %add3A_618, %add3A_619 : i32
      %dma_wait3A_621 = arith.constant 3 : i32
      %dma_wait3A_622 = arith.constant 3 : i32
      %dma_wait3A_623 = arith.constant 0 : i32
      %dma_wait3A_624 = arith.constant 0 : i32
      %dma_wait3A_625 = tpu.memref_slice %arg6[%dma_wait3A_621, %dma_wait3A_623, %dma_wait3A_624] : memref<8x128x64xf32, #tpu.memory_space<vmem>> -> memref<1x128x64xf32, #tpu.memory_space<vmem>>
      %dma_wait3A_626 = tpu.memref_squeeze %dma_wait3A_625 : memref<1x128x64xf32, #tpu.memory_space<vmem>> -> memref<128x64xf32, #tpu.memory_space<vmem>>
      %dma_wait3A_627 = arith.constant 0 : i32
      %dma_wait3A_628 = tpu.memref_slice %arg5[%add3A_620, %dma_wait3A_627] : memref<200x128xi32, #tpu.memory_space<vmem>> -> memref<1x128xi32, #tpu.memory_space<vmem>>
      %dma_wait3A_629 = tpu.memref_squeeze %dma_wait3A_628 : memref<1x128xi32, #tpu.memory_space<vmem>> -> memref<128xi32, #tpu.memory_space<vmem>>
      %dma_wait3A_630 = arith.constant 0 : i32
      %dma_wait3A_631 = arith.constant 0 : i32
      %dma_wait3A_632 = tpu.memref_slice %arg3[%dma_wait3A_630, %dma_wait3A_631] : memref<1000000x64xf32, #tpu.memory_space<hbm>> -> memref<1000000x64xf32, #tpu.memory_space<hbm>>
      %dma_wait3A_633 = tpu.memref_slice %arg7[%dma_wait3A_622] : memref<8x!tpu.dma_semaphore, #tpu.memory_space<semaphore_mem>> -> memref<1x!tpu.dma_semaphore, #tpu.memory_space<semaphore_mem>>
      %dma_wait3A_634 = tpu.memref_squeeze %dma_wait3A_633 : memref<1x!tpu.dma_semaphore, #tpu.memory_space<semaphore_mem>> -> memref<!tpu.dma_semaphore, #tpu.memory_space<semaphore_mem>>
      tpu.wait_indirect_dma semaphore(%dma_wait3A_634 : memref<!tpu.dma_semaphore, #tpu.memory_space<semaphore_mem>>) src(%dma_wait3A_632 : memref<1000000x64xf32, #tpu.memory_space<hbm>>) dst(%dma_wait3A_626 : memref<128x64xf32, #tpu.memory_space<vmem>>)
      %mul3A_635 = arith.constant 128 : i32
      %mul3A_636 = arith.muli %add3A_620, %mul3A_635 : i32
      %add3A_637 = arith.addi %mul3A_2, %mul3A_636 : i32
      %dma_start3A_638 = arith.constant 3 : i32
      %dma_start3A_639 = arith.constant 3 : i32
      %dma_start3A_640 = arith.constant 0 : i32
      %dma_start3A_641 = arith.constant 0 : i32
      %dma_start3A_642 = tpu.memref_slice %arg6[%dma_start3A_638, %dma_start3A_640, %dma_start3A_641] : memref<8x128x64xf32, #tpu.memory_space<vmem>> -> memref<1x128x64xf32, #tpu.memory_space<vmem>>
      %dma_start3A_643 = tpu.memref_squeeze %dma_start3A_642 : memref<1x128x64xf32, #tpu.memory_space<vmem>> -> memref<128x64xf32, #tpu.memory_space<vmem>>
      %dma_start3A_644 = arith.constant 0 : i32
      %dma_start3A_645 = tpu.memref_slice %arg4[%add3A_637, %dma_start3A_644] : memref<819200x64xf32, #tpu.memory_space<hbm>> -> memref<128x64xf32, #tpu.memory_space<hbm>>
      %dma_start3A_646 = tpu.memref_slice %arg8[%dma_start3A_639] : memref<8x!tpu.dma_semaphore, #tpu.memory_space<semaphore_mem>> -> memref<1x!tpu.dma_semaphore, #tpu.memory_space<semaphore_mem>>
      %dma_start3A_647 = tpu.memref_squeeze %dma_start3A_646 : memref<1x!tpu.dma_semaphore, #tpu.memory_space<semaphore_mem>> -> memref<!tpu.dma_semaphore, #tpu.memory_space<semaphore_mem>>
      %dma_start3A_648 = arith.constant 0 : i32
      %dma_start3A_649 = tpu.memref_slice %arg4[%add3A_637, %dma_start3A_648] : memref<819200x64xf32, #tpu.memory_space<hbm>> -> memref<128x64xf32, #tpu.memory_space<hbm>>
      %dma_start3A_650 = arith.constant 0 : i32
      %dma_start3A_651 = arith.constant 0 : i32
      %dma_start3A_652 = tpu.memref_slice %arg6[%dma_start3A_638, %dma_start3A_650, %dma_start3A_651] : memref<8x128x64xf32, #tpu.memory_space<vmem>> -> memref<1x128x64xf32, #tpu.memory_space<vmem>>
      %dma_start3A_653 = tpu.memref_squeeze %dma_start3A_652 : memref<1x128x64xf32, #tpu.memory_space<vmem>> -> memref<128x64xf32, #tpu.memory_space<vmem>>
      tpu.enqueue_dma source(%dma_start3A_653 : memref<128x64xf32, #tpu.memory_space<vmem>>) target(%dma_start3A_649 : memref<128x64xf32, #tpu.memory_space<hbm>>) target_semaphore(%dma_start3A_647 : memref<!tpu.dma_semaphore, #tpu.memory_space<semaphore_mem>>)
      %sub3A_654 = arith.constant 2 : i32
      %sub3A_655 = arith.subi %add3A_620, %sub3A_654 : i32
      %mul3A_656 = arith.constant 128 : i32
      %mul3A_657 = arith.muli %sub3A_655, %mul3A_656 : i32
      %add3A_658 = arith.addi %mul3A_2, %mul3A_657 : i32
      %dma_wait3A_659 = arith.constant 1 : i32
      %dma_wait3A_660 = arith.constant 1 : i32
      %dma_wait3A_661 = arith.constant 0 : i32
      %dma_wait3A_662 = arith.constant 0 : i32
      %dma_wait3A_663 = tpu.memref_slice %arg6[%dma_wait3A_659, %dma_wait3A_661, %dma_wait3A_662] : memref<8x128x64xf32, #tpu.memory_space<vmem>> -> memref<1x128x64xf32, #tpu.memory_space<vmem>>
      %dma_wait3A_664 = tpu.memref_squeeze %dma_wait3A_663 : memref<1x128x64xf32, #tpu.memory_space<vmem>> -> memref<128x64xf32, #tpu.memory_space<vmem>>
      %dma_wait3A_665 = arith.constant 0 : i32
      %dma_wait3A_666 = tpu.memref_slice %arg4[%add3A_658, %dma_wait3A_665] : memref<819200x64xf32, #tpu.memory_space<hbm>> -> memref<128x64xf32, #tpu.memory_space<hbm>>
      %dma_wait3A_667 = tpu.memref_slice %arg8[%dma_wait3A_660] : memref<8x!tpu.dma_semaphore, #tpu.memory_space<semaphore_mem>> -> memref<1x!tpu.dma_semaphore, #tpu.memory_space<semaphore_mem>>
      %dma_wait3A_668 = tpu.memref_squeeze %dma_wait3A_667 : memref<1x!tpu.dma_semaphore, #tpu.memory_space<semaphore_mem>> -> memref<!tpu.dma_semaphore, #tpu.memory_space<semaphore_mem>>
      %dma_wait3A_669 = arith.constant 0 : i32
      %dma_wait3A_670 = tpu.memref_slice %arg4[%add3A_658, %dma_wait3A_669] : memref<819200x64xf32, #tpu.memory_space<hbm>> -> memref<128x64xf32, #tpu.memory_space<hbm>>
      %dma_wait3A_671 = arith.constant 0 : i32
      %dma_wait3A_672 = arith.constant 0 : i32
      %dma_wait3A_673 = tpu.memref_slice %arg6[%dma_wait3A_659, %dma_wait3A_671, %dma_wait3A_672] : memref<8x128x64xf32, #tpu.memory_space<vmem>> -> memref<1x128x64xf32, #tpu.memory_space<vmem>>
      %dma_wait3A_674 = tpu.memref_squeeze %dma_wait3A_673 : memref<1x128x64xf32, #tpu.memory_space<vmem>> -> memref<128x64xf32, #tpu.memory_space<vmem>>
      tpu.wait_dma2 semaphore(%dma_wait3A_668 : memref<!tpu.dma_semaphore, #tpu.memory_space<semaphore_mem>>) src(%dma_wait3A_674 : memref<128x64xf32, #tpu.memory_space<vmem>>) dst(%dma_wait3A_670 : memref<128x64xf32, #tpu.memory_space<hbm>>)
      %add3A_675 = arith.constant 8 : i32
      %add3A_676 = arith.addi %add3A_620, %add3A_675 : i32
      %sub3A_677 = arith.constant 2 : i32
      %sub3A_678 = arith.subi %add3A_676, %sub3A_677 : i32
      %dma_start3A_679 = arith.constant 1 : i32
      %dma_start3A_680 = arith.constant 1 : i32
      %dma_start3A_681 = arith.constant 0 : i32
      %dma_start3A_682 = arith.constant 0 : i32
      %dma_start3A_683 = tpu.memref_slice %arg6[%dma_start3A_679, %dma_start3A_681, %dma_start3A_682] : memref<8x128x64xf32, #tpu.memory_space<vmem>> -> memref<1x128x64xf32, #tpu.memory_space<vmem>>
      %dma_start3A_684 = tpu.memref_squeeze %dma_start3A_683 : memref<1x128x64xf32, #tpu.memory_space<vmem>> -> memref<128x64xf32, #tpu.memory_space<vmem>>
      %dma_start3A_685 = arith.constant 0 : i32
      %dma_start3A_686 = tpu.memref_slice %arg5[%sub3A_678, %dma_start3A_685] : memref<200x128xi32, #tpu.memory_space<vmem>> -> memref<1x128xi32, #tpu.memory_space<vmem>>
      %dma_start3A_687 = tpu.memref_squeeze %dma_start3A_686 : memref<1x128xi32, #tpu.memory_space<vmem>> -> memref<128xi32, #tpu.memory_space<vmem>>
      %dma_start3A_688 = arith.constant 0 : i32
      %dma_start3A_689 = arith.constant 0 : i32
      %dma_start3A_690 = tpu.memref_slice %arg3[%dma_start3A_688, %dma_start3A_689] : memref<1000000x64xf32, #tpu.memory_space<hbm>> -> memref<1000000x64xf32, #tpu.memory_space<hbm>>
      %dma_start3A_691 = tpu.memref_slice %arg7[%dma_start3A_680] : memref<8x!tpu.dma_semaphore, #tpu.memory_space<semaphore_mem>> -> memref<1x!tpu.dma_semaphore, #tpu.memory_space<semaphore_mem>>
      %dma_start3A_692 = tpu.memref_squeeze %dma_start3A_691 : memref<1x!tpu.dma_semaphore, #tpu.memory_space<semaphore_mem>> -> memref<!tpu.dma_semaphore, #tpu.memory_space<semaphore_mem>>
      tpu.enqueue_indirect_dma source(%dma_start3A_690 : memref<1000000x64xf32, #tpu.memory_space<hbm>>) target(%dma_start3A_684 : memref<128x64xf32, #tpu.memory_space<vmem>>) offsets(%dma_start3A_687 : memref<128xi32, #tpu.memory_space<vmem>>) semaphore(%dma_start3A_692 : memref<!tpu.dma_semaphore, #tpu.memory_space<semaphore_mem>>)
      %mul3A_693 = arith.constant 8 : i32
      %mul3A_694 = arith.muli %add3A_537, %mul3A_693 : i32
      %add3A_695 = arith.constant 2 : i32
      %add3A_696 = arith.addi %add3A_695, %mul3A_694 : i32
      %add3A_697 = arith.constant 2 : i32
      %add3A_698 = arith.addi %add3A_696, %add3A_697 : i32
      %dma_wait3A_699 = arith.constant 4 : i32
      %dma_wait3A_700 = arith.constant 4 : i32
      %dma_wait3A_701 = arith.constant 0 : i32
      %dma_wait3A_702 = arith.constant 0 : i32
      %dma_wait3A_703 = tpu.memref_slice %arg6[%dma_wait3A_699, %dma_wait3A_701, %dma_wait3A_702] : memref<8x128x64xf32, #tpu.memory_space<vmem>> -> memref<1x128x64xf32, #tpu.memory_space<vmem>>
      %dma_wait3A_704 = tpu.memref_squeeze %dma_wait3A_703 : memref<1x128x64xf32, #tpu.memory_space<vmem>> -> memref<128x64xf32, #tpu.memory_space<vmem>>
      %dma_wait3A_705 = arith.constant 0 : i32
      %dma_wait3A_706 = tpu.memref_slice %arg5[%add3A_698, %dma_wait3A_705] : memref<200x128xi32, #tpu.memory_space<vmem>> -> memref<1x128xi32, #tpu.memory_space<vmem>>
      %dma_wait3A_707 = tpu.memref_squeeze %dma_wait3A_706 : memref<1x128xi32, #tpu.memory_space<vmem>> -> memref<128xi32, #tpu.memory_space<vmem>>
      %dma_wait3A_708 = arith.constant 0 : i32
      %dma_wait3A_709 = arith.constant 0 : i32
      %dma_wait3A_710 = tpu.memref_slice %arg3[%dma_wait3A_708, %dma_wait3A_709] : memref<1000000x64xf32, #tpu.memory_space<hbm>> -> memref<1000000x64xf32, #tpu.memory_space<hbm>>
      %dma_wait3A_711 = tpu.memref_slice %arg7[%dma_wait3A_700] : memref<8x!tpu.dma_semaphore, #tpu.memory_space<semaphore_mem>> -> memref<1x!tpu.dma_semaphore, #tpu.memory_space<semaphore_mem>>
      %dma_wait3A_712 = tpu.memref_squeeze %dma_wait3A_711 : memref<1x!tpu.dma_semaphore, #tpu.memory_space<semaphore_mem>> -> memref<!tpu.dma_semaphore, #tpu.memory_space<semaphore_mem>>
      tpu.wait_indirect_dma semaphore(%dma_wait3A_712 : memref<!tpu.dma_semaphore, #tpu.memory_space<semaphore_mem>>) src(%dma_wait3A_710 : memref<1000000x64xf32, #tpu.memory_space<hbm>>) dst(%dma_wait3A_704 : memref<128x64xf32, #tpu.memory_space<vmem>>)
      %mul3A_713 = arith.constant 128 : i32
      %mul3A_714 = arith.muli %add3A_698, %mul3A_713 : i32
      %add3A_715 = arith.addi %mul3A_2, %mul3A_714 : i32
      %dma_start3A_716 = arith.constant 4 : i32
      %dma_start3A_717 = arith.constant 4 : i32
      %dma_start3A_718 = arith.constant 0 : i32
      %dma_start3A_719 = arith.constant 0 : i32
      %dma_start3A_720 = tpu.memref_slice %arg6[%dma_start3A_716, %dma_start3A_718, %dma_start3A_719] : memref<8x128x64xf32, #tpu.memory_space<vmem>> -> memref<1x128x64xf32, #tpu.memory_space<vmem>>
      %dma_start3A_721 = tpu.memref_squeeze %dma_start3A_720 : memref<1x128x64xf32, #tpu.memory_space<vmem>> -> memref<128x64xf32, #tpu.memory_space<vmem>>
      %dma_start3A_722 = arith.constant 0 : i32
      %dma_start3A_723 = tpu.memref_slice %arg4[%add3A_715, %dma_start3A_722] : memref<819200x64xf32, #tpu.memory_space<hbm>> -> memref<128x64xf32, #tpu.memory_space<hbm>>
      %dma_start3A_724 = tpu.memref_slice %arg8[%dma_start3A_717] : memref<8x!tpu.dma_semaphore, #tpu.memory_space<semaphore_mem>> -> memref<1x!tpu.dma_semaphore, #tpu.memory_space<semaphore_mem>>
      %dma_start3A_725 = tpu.memref_squeeze %dma_start3A_724 : memref<1x!tpu.dma_semaphore, #tpu.memory_space<semaphore_mem>> -> memref<!tpu.dma_semaphore, #tpu.memory_space<semaphore_mem>>
      %dma_start3A_726 = arith.constant 0 : i32
      %dma_start3A_727 = tpu.memref_slice %arg4[%add3A_715, %dma_start3A_726] : memref<819200x64xf32, #tpu.memory_space<hbm>> -> memref<128x64xf32, #tpu.memory_space<hbm>>
      %dma_start3A_728 = arith.constant 0 : i32
      %dma_start3A_729 = arith.constant 0 : i32
      %dma_start3A_730 = tpu.memref_slice %arg6[%dma_start3A_716, %dma_start3A_728, %dma_start3A_729] : memref<8x128x64xf32, #tpu.memory_space<vmem>> -> memref<1x128x64xf32, #tpu.memory_space<vmem>>
      %dma_start3A_731 = tpu.memref_squeeze %dma_start3A_730 : memref<1x128x64xf32, #tpu.memory_space<vmem>> -> memref<128x64xf32, #tpu.memory_space<vmem>>
      tpu.enqueue_dma source(%dma_start3A_731 : memref<128x64xf32, #tpu.memory_space<vmem>>) target(%dma_start3A_727 : memref<128x64xf32, #tpu.memory_space<hbm>>) target_semaphore(%dma_start3A_725 : memref<!tpu.dma_semaphore, #tpu.memory_space<semaphore_mem>>)
      %sub3A_732 = arith.constant 2 : i32
      %sub3A_733 = arith.subi %add3A_698, %sub3A_732 : i32
      %mul3A_734 = arith.constant 128 : i32
      %mul3A_735 = arith.muli %sub3A_733, %mul3A_734 : i32
      %add3A_736 = arith.addi %mul3A_2, %mul3A_735 : i32
      %dma_wait3A_737 = arith.constant 2 : i32
      %dma_wait3A_738 = arith.constant 2 : i32
      %dma_wait3A_739 = arith.constant 0 : i32
      %dma_wait3A_740 = arith.constant 0 : i32
      %dma_wait3A_741 = tpu.memref_slice %arg6[%dma_wait3A_737, %dma_wait3A_739, %dma_wait3A_740] : memref<8x128x64xf32, #tpu.memory_space<vmem>> -> memref<1x128x64xf32, #tpu.memory_space<vmem>>
      %dma_wait3A_742 = tpu.memref_squeeze %dma_wait3A_741 : memref<1x128x64xf32, #tpu.memory_space<vmem>> -> memref<128x64xf32, #tpu.memory_space<vmem>>
      %dma_wait3A_743 = arith.constant 0 : i32
      %dma_wait3A_744 = tpu.memref_slice %arg4[%add3A_736, %dma_wait3A_743] : memref<819200x64xf32, #tpu.memory_space<hbm>> -> memref<128x64xf32, #tpu.memory_space<hbm>>
      %dma_wait3A_745 = tpu.memref_slice %arg8[%dma_wait3A_738] : memref<8x!tpu.dma_semaphore, #tpu.memory_space<semaphore_mem>> -> memref<1x!tpu.dma_semaphore, #tpu.memory_space<semaphore_mem>>
      %dma_wait3A_746 = tpu.memref_squeeze %dma_wait3A_745 : memref<1x!tpu.dma_semaphore, #tpu.memory_space<semaphore_mem>> -> memref<!tpu.dma_semaphore, #tpu.memory_space<semaphore_mem>>
      %dma_wait3A_747 = arith.constant 0 : i32
      %dma_wait3A_748 = tpu.memref_slice %arg4[%add3A_736, %dma_wait3A_747] : memref<819200x64xf32, #tpu.memory_space<hbm>> -> memref<128x64xf32, #tpu.memory_space<hbm>>
      %dma_wait3A_749 = arith.constant 0 : i32
      %dma_wait3A_750 = arith.constant 0 : i32
      %dma_wait3A_751 = tpu.memref_slice %arg6[%dma_wait3A_737, %dma_wait3A_749, %dma_wait3A_750] : memref<8x128x64xf32, #tpu.memory_space<vmem>> -> memref<1x128x64xf32, #tpu.memory_space<vmem>>
      %dma_wait3A_752 = tpu.memref_squeeze %dma_wait3A_751 : memref<1x128x64xf32, #tpu.memory_space<vmem>> -> memref<128x64xf32, #tpu.memory_space<vmem>>
      tpu.wait_dma2 semaphore(%dma_wait3A_746 : memref<!tpu.dma_semaphore, #tpu.memory_space<semaphore_mem>>) src(%dma_wait3A_752 : memref<128x64xf32, #tpu.memory_space<vmem>>) dst(%dma_wait3A_748 : memref<128x64xf32, #tpu.memory_space<hbm>>)
      %add3A_753 = arith.constant 8 : i32
      %add3A_754 = arith.addi %add3A_698, %add3A_753 : i32
      %sub3A_755 = arith.constant 2 : i32
      %sub3A_756 = arith.subi %add3A_754, %sub3A_755 : i32
      %dma_start3A_757 = arith.constant 2 : i32
      %dma_start3A_758 = arith.constant 2 : i32
      %dma_start3A_759 = arith.constant 0 : i32
      %dma_start3A_760 = arith.constant 0 : i32
      %dma_start3A_761 = tpu.memref_slice %arg6[%dma_start3A_757, %dma_start3A_759, %dma_start3A_760] : memref<8x128x64xf32, #tpu.memory_space<vmem>> -> memref<1x128x64xf32, #tpu.memory_space<vmem>>
      %dma_start3A_762 = tpu.memref_squeeze %dma_start3A_761 : memref<1x128x64xf32, #tpu.memory_space<vmem>> -> memref<128x64xf32, #tpu.memory_space<vmem>>
      %dma_start3A_763 = arith.constant 0 : i32
      %dma_start3A_764 = tpu.memref_slice %arg5[%sub3A_756, %dma_start3A_763] : memref<200x128xi32, #tpu.memory_space<vmem>> -> memref<1x128xi32, #tpu.memory_space<vmem>>
      %dma_start3A_765 = tpu.memref_squeeze %dma_start3A_764 : memref<1x128xi32, #tpu.memory_space<vmem>> -> memref<128xi32, #tpu.memory_space<vmem>>
      %dma_start3A_766 = arith.constant 0 : i32
      %dma_start3A_767 = arith.constant 0 : i32
      %dma_start3A_768 = tpu.memref_slice %arg3[%dma_start3A_766, %dma_start3A_767] : memref<1000000x64xf32, #tpu.memory_space<hbm>> -> memref<1000000x64xf32, #tpu.memory_space<hbm>>
      %dma_start3A_769 = tpu.memref_slice %arg7[%dma_start3A_758] : memref<8x!tpu.dma_semaphore, #tpu.memory_space<semaphore_mem>> -> memref<1x!tpu.dma_semaphore, #tpu.memory_space<semaphore_mem>>
      %dma_start3A_770 = tpu.memref_squeeze %dma_start3A_769 : memref<1x!tpu.dma_semaphore, #tpu.memory_space<semaphore_mem>> -> memref<!tpu.dma_semaphore, #tpu.memory_space<semaphore_mem>>
      tpu.enqueue_indirect_dma source(%dma_start3A_768 : memref<1000000x64xf32, #tpu.memory_space<hbm>>) target(%dma_start3A_762 : memref<128x64xf32, #tpu.memory_space<vmem>>) offsets(%dma_start3A_765 : memref<128xi32, #tpu.memory_space<vmem>>) semaphore(%dma_start3A_770 : memref<!tpu.dma_semaphore, #tpu.memory_space<semaphore_mem>>)
      %mul3A_771 = arith.constant 8 : i32
      %mul3A_772 = arith.muli %add3A_537, %mul3A_771 : i32
      %add3A_773 = arith.constant 2 : i32
      %add3A_774 = arith.addi %add3A_773, %mul3A_772 : i32
      %add3A_775 = arith.constant 3 : i32
      %add3A_776 = arith.addi %add3A_774, %add3A_775 : i32
      %dma_wait3A_777 = arith.constant 5 : i32
      %dma_wait3A_778 = arith.constant 5 : i32
      %dma_wait3A_779 = arith.constant 0 : i32
      %dma_wait3A_780 = arith.constant 0 : i32
      %dma_wait3A_781 = tpu.memref_slice %arg6[%dma_wait3A_777, %dma_wait3A_779, %dma_wait3A_780] : memref<8x128x64xf32, #tpu.memory_space<vmem>> -> memref<1x128x64xf32, #tpu.memory_space<vmem>>
      %dma_wait3A_782 = tpu.memref_squeeze %dma_wait3A_781 : memref<1x128x64xf32, #tpu.memory_space<vmem>> -> memref<128x64xf32, #tpu.memory_space<vmem>>
      %dma_wait3A_783 = arith.constant 0 : i32
      %dma_wait3A_784 = tpu.memref_slice %arg5[%add3A_776, %dma_wait3A_783] : memref<200x128xi32, #tpu.memory_space<vmem>> -> memref<1x128xi32, #tpu.memory_space<vmem>>
      %dma_wait3A_785 = tpu.memref_squeeze %dma_wait3A_784 : memref<1x128xi32, #tpu.memory_space<vmem>> -> memref<128xi32, #tpu.memory_space<vmem>>
      %dma_wait3A_786 = arith.constant 0 : i32
      %dma_wait3A_787 = arith.constant 0 : i32
      %dma_wait3A_788 = tpu.memref_slice %arg3[%dma_wait3A_786, %dma_wait3A_787] : memref<1000000x64xf32, #tpu.memory_space<hbm>> -> memref<1000000x64xf32, #tpu.memory_space<hbm>>
      %dma_wait3A_789 = tpu.memref_slice %arg7[%dma_wait3A_778] : memref<8x!tpu.dma_semaphore, #tpu.memory_space<semaphore_mem>> -> memref<1x!tpu.dma_semaphore, #tpu.memory_space<semaphore_mem>>
      %dma_wait3A_790 = tpu.memref_squeeze %dma_wait3A_789 : memref<1x!tpu.dma_semaphore, #tpu.memory_space<semaphore_mem>> -> memref<!tpu.dma_semaphore, #tpu.memory_space<semaphore_mem>>
      tpu.wait_indirect_dma semaphore(%dma_wait3A_790 : memref<!tpu.dma_semaphore, #tpu.memory_space<semaphore_mem>>) src(%dma_wait3A_788 : memref<1000000x64xf32, #tpu.memory_space<hbm>>) dst(%dma_wait3A_782 : memref<128x64xf32, #tpu.memory_space<vmem>>)
      %mul3A_791 = arith.constant 128 : i32
      %mul3A_792 = arith.muli %add3A_776, %mul3A_791 : i32
      %add3A_793 = arith.addi %mul3A_2, %mul3A_792 : i32
      %dma_start3A_794 = arith.constant 5 : i32
      %dma_start3A_795 = arith.constant 5 : i32
      %dma_start3A_796 = arith.constant 0 : i32
      %dma_start3A_797 = arith.constant 0 : i32
      %dma_start3A_798 = tpu.memref_slice %arg6[%dma_start3A_794, %dma_start3A_796, %dma_start3A_797] : memref<8x128x64xf32, #tpu.memory_space<vmem>> -> memref<1x128x64xf32, #tpu.memory_space<vmem>>
      %dma_start3A_799 = tpu.memref_squeeze %dma_start3A_798 : memref<1x128x64xf32, #tpu.memory_space<vmem>> -> memref<128x64xf32, #tpu.memory_space<vmem>>
      %dma_start3A_800 = arith.constant 0 : i32
      %dma_start3A_801 = tpu.memref_slice %arg4[%add3A_793, %dma_start3A_800] : memref<819200x64xf32, #tpu.memory_space<hbm>> -> memref<128x64xf32, #tpu.memory_space<hbm>>
      %dma_start3A_802 = tpu.memref_slice %arg8[%dma_start3A_795] : memref<8x!tpu.dma_semaphore, #tpu.memory_space<semaphore_mem>> -> memref<1x!tpu.dma_semaphore, #tpu.memory_space<semaphore_mem>>
      %dma_start3A_803 = tpu.memref_squeeze %dma_start3A_802 : memref<1x!tpu.dma_semaphore, #tpu.memory_space<semaphore_mem>> -> memref<!tpu.dma_semaphore, #tpu.memory_space<semaphore_mem>>
      %dma_start3A_804 = arith.constant 0 : i32
      %dma_start3A_805 = tpu.memref_slice %arg4[%add3A_793, %dma_start3A_804] : memref<819200x64xf32, #tpu.memory_space<hbm>> -> memref<128x64xf32, #tpu.memory_space<hbm>>
      %dma_start3A_806 = arith.constant 0 : i32
      %dma_start3A_807 = arith.constant 0 : i32
      %dma_start3A_808 = tpu.memref_slice %arg6[%dma_start3A_794, %dma_start3A_806, %dma_start3A_807] : memref<8x128x64xf32, #tpu.memory_space<vmem>> -> memref<1x128x64xf32, #tpu.memory_space<vmem>>
      %dma_start3A_809 = tpu.memref_squeeze %dma_start3A_808 : memref<1x128x64xf32, #tpu.memory_space<vmem>> -> memref<128x64xf32, #tpu.memory_space<vmem>>
      tpu.enqueue_dma source(%dma_start3A_809 : memref<128x64xf32, #tpu.memory_space<vmem>>) target(%dma_start3A_805 : memref<128x64xf32, #tpu.memory_space<hbm>>) target_semaphore(%dma_start3A_803 : memref<!tpu.dma_semaphore, #tpu.memory_space<semaphore_mem>>)
      %sub3A_810 = arith.constant 2 : i32
      %sub3A_811 = arith.subi %add3A_776, %sub3A_810 : i32
      %mul3A_812 = arith.constant 128 : i32
      %mul3A_813 = arith.muli %sub3A_811, %mul3A_812 : i32
      %add3A_814 = arith.addi %mul3A_2, %mul3A_813 : i32
      %dma_wait3A_815 = arith.constant 3 : i32
      %dma_wait3A_816 = arith.constant 3 : i32
      %dma_wait3A_817 = arith.constant 0 : i32
      %dma_wait3A_818 = arith.constant 0 : i32
      %dma_wait3A_819 = tpu.memref_slice %arg6[%dma_wait3A_815, %dma_wait3A_817, %dma_wait3A_818] : memref<8x128x64xf32, #tpu.memory_space<vmem>> -> memref<1x128x64xf32, #tpu.memory_space<vmem>>
      %dma_wait3A_820 = tpu.memref_squeeze %dma_wait3A_819 : memref<1x128x64xf32, #tpu.memory_space<vmem>> -> memref<128x64xf32, #tpu.memory_space<vmem>>
      %dma_wait3A_821 = arith.constant 0 : i32
      %dma_wait3A_822 = tpu.memref_slice %arg4[%add3A_814, %dma_wait3A_821] : memref<819200x64xf32, #tpu.memory_space<hbm>> -> memref<128x64xf32, #tpu.memory_space<hbm>>
      %dma_wait3A_823 = tpu.memref_slice %arg8[%dma_wait3A_816] : memref<8x!tpu.dma_semaphore, #tpu.memory_space<semaphore_mem>> -> memref<1x!tpu.dma_semaphore, #tpu.memory_space<semaphore_mem>>
      %dma_wait3A_824 = tpu.memref_squeeze %dma_wait3A_823 : memref<1x!tpu.dma_semaphore, #tpu.memory_space<semaphore_mem>> -> memref<!tpu.dma_semaphore, #tpu.memory_space<semaphore_mem>>
      %dma_wait3A_825 = arith.constant 0 : i32
      %dma_wait3A_826 = tpu.memref_slice %arg4[%add3A_814, %dma_wait3A_825] : memref<819200x64xf32, #tpu.memory_space<hbm>> -> memref<128x64xf32, #tpu.memory_space<hbm>>
      %dma_wait3A_827 = arith.constant 0 : i32
      %dma_wait3A_828 = arith.constant 0 : i32
      %dma_wait3A_829 = tpu.memref_slice %arg6[%dma_wait3A_815, %dma_wait3A_827, %dma_wait3A_828] : memref<8x128x64xf32, #tpu.memory_space<vmem>> -> memref<1x128x64xf32, #tpu.memory_space<vmem>>
      %dma_wait3A_830 = tpu.memref_squeeze %dma_wait3A_829 : memref<1x128x64xf32, #tpu.memory_space<vmem>> -> memref<128x64xf32, #tpu.memory_space<vmem>>
      tpu.wait_dma2 semaphore(%dma_wait3A_824 : memref<!tpu.dma_semaphore, #tpu.memory_space<semaphore_mem>>) src(%dma_wait3A_830 : memref<128x64xf32, #tpu.memory_space<vmem>>) dst(%dma_wait3A_826 : memref<128x64xf32, #tpu.memory_space<hbm>>)
      %add3A_831 = arith.constant 8 : i32
      %add3A_832 = arith.addi %add3A_776, %add3A_831 : i32
      %sub3A_833 = arith.constant 2 : i32
      %sub3A_834 = arith.subi %add3A_832, %sub3A_833 : i32
      %dma_start3A_835 = arith.constant 3 : i32
      %dma_start3A_836 = arith.constant 3 : i32
      %dma_start3A_837 = arith.constant 0 : i32
      %dma_start3A_838 = arith.constant 0 : i32
      %dma_start3A_839 = tpu.memref_slice %arg6[%dma_start3A_835, %dma_start3A_837, %dma_start3A_838] : memref<8x128x64xf32, #tpu.memory_space<vmem>> -> memref<1x128x64xf32, #tpu.memory_space<vmem>>
      %dma_start3A_840 = tpu.memref_squeeze %dma_start3A_839 : memref<1x128x64xf32, #tpu.memory_space<vmem>> -> memref<128x64xf32, #tpu.memory_space<vmem>>
      %dma_start3A_841 = arith.constant 0 : i32
      %dma_start3A_842 = tpu.memref_slice %arg5[%sub3A_834, %dma_start3A_841] : memref<200x128xi32, #tpu.memory_space<vmem>> -> memref<1x128xi32, #tpu.memory_space<vmem>>
      %dma_start3A_843 = tpu.memref_squeeze %dma_start3A_842 : memref<1x128xi32, #tpu.memory_space<vmem>> -> memref<128xi32, #tpu.memory_space<vmem>>
      %dma_start3A_844 = arith.constant 0 : i32
      %dma_start3A_845 = arith.constant 0 : i32
      %dma_start3A_846 = tpu.memref_slice %arg3[%dma_start3A_844, %dma_start3A_845] : memref<1000000x64xf32, #tpu.memory_space<hbm>> -> memref<1000000x64xf32, #tpu.memory_space<hbm>>
      %dma_start3A_847 = tpu.memref_slice %arg7[%dma_start3A_836] : memref<8x!tpu.dma_semaphore, #tpu.memory_space<semaphore_mem>> -> memref<1x!tpu.dma_semaphore, #tpu.memory_space<semaphore_mem>>
      %dma_start3A_848 = tpu.memref_squeeze %dma_start3A_847 : memref<1x!tpu.dma_semaphore, #tpu.memory_space<semaphore_mem>> -> memref<!tpu.dma_semaphore, #tpu.memory_space<semaphore_mem>>
      tpu.enqueue_indirect_dma source(%dma_start3A_846 : memref<1000000x64xf32, #tpu.memory_space<hbm>>) target(%dma_start3A_840 : memref<128x64xf32, #tpu.memory_space<vmem>>) offsets(%dma_start3A_843 : memref<128xi32, #tpu.memory_space<vmem>>) semaphore(%dma_start3A_848 : memref<!tpu.dma_semaphore, #tpu.memory_space<semaphore_mem>>)
      %mul3A_849 = arith.constant 8 : i32
      %mul3A_850 = arith.muli %add3A_537, %mul3A_849 : i32
      %add3A_851 = arith.constant 2 : i32
      %add3A_852 = arith.addi %add3A_851, %mul3A_850 : i32
      %add3A_853 = arith.constant 4 : i32
      %add3A_854 = arith.addi %add3A_852, %add3A_853 : i32
      %dma_wait3A_855 = arith.constant 6 : i32
      %dma_wait3A_856 = arith.constant 6 : i32
      %dma_wait3A_857 = arith.constant 0 : i32
      %dma_wait3A_858 = arith.constant 0 : i32
      %dma_wait3A_859 = tpu.memref_slice %arg6[%dma_wait3A_855, %dma_wait3A_857, %dma_wait3A_858] : memref<8x128x64xf32, #tpu.memory_space<vmem>> -> memref<1x128x64xf32, #tpu.memory_space<vmem>>
      %dma_wait3A_860 = tpu.memref_squeeze %dma_wait3A_859 : memref<1x128x64xf32, #tpu.memory_space<vmem>> -> memref<128x64xf32, #tpu.memory_space<vmem>>
      %dma_wait3A_861 = arith.constant 0 : i32
      %dma_wait3A_862 = tpu.memref_slice %arg5[%add3A_854, %dma_wait3A_861] : memref<200x128xi32, #tpu.memory_space<vmem>> -> memref<1x128xi32, #tpu.memory_space<vmem>>
      %dma_wait3A_863 = tpu.memref_squeeze %dma_wait3A_862 : memref<1x128xi32, #tpu.memory_space<vmem>> -> memref<128xi32, #tpu.memory_space<vmem>>
      %dma_wait3A_864 = arith.constant 0 : i32
      %dma_wait3A_865 = arith.constant 0 : i32
      %dma_wait3A_866 = tpu.memref_slice %arg3[%dma_wait3A_864, %dma_wait3A_865] : memref<1000000x64xf32, #tpu.memory_space<hbm>> -> memref<1000000x64xf32, #tpu.memory_space<hbm>>
      %dma_wait3A_867 = tpu.memref_slice %arg7[%dma_wait3A_856] : memref<8x!tpu.dma_semaphore, #tpu.memory_space<semaphore_mem>> -> memref<1x!tpu.dma_semaphore, #tpu.memory_space<semaphore_mem>>
      %dma_wait3A_868 = tpu.memref_squeeze %dma_wait3A_867 : memref<1x!tpu.dma_semaphore, #tpu.memory_space<semaphore_mem>> -> memref<!tpu.dma_semaphore, #tpu.memory_space<semaphore_mem>>
      tpu.wait_indirect_dma semaphore(%dma_wait3A_868 : memref<!tpu.dma_semaphore, #tpu.memory_space<semaphore_mem>>) src(%dma_wait3A_866 : memref<1000000x64xf32, #tpu.memory_space<hbm>>) dst(%dma_wait3A_860 : memref<128x64xf32, #tpu.memory_space<vmem>>)
      %mul3A_869 = arith.constant 128 : i32
      %mul3A_870 = arith.muli %add3A_854, %mul3A_869 : i32
      %add3A_871 = arith.addi %mul3A_2, %mul3A_870 : i32
      %dma_start3A_872 = arith.constant 6 : i32
      %dma_start3A_873 = arith.constant 6 : i32
      %dma_start3A_874 = arith.constant 0 : i32
      %dma_start3A_875 = arith.constant 0 : i32
      %dma_start3A_876 = tpu.memref_slice %arg6[%dma_start3A_872, %dma_start3A_874, %dma_start3A_875] : memref<8x128x64xf32, #tpu.memory_space<vmem>> -> memref<1x128x64xf32, #tpu.memory_space<vmem>>
      %dma_start3A_877 = tpu.memref_squeeze %dma_start3A_876 : memref<1x128x64xf32, #tpu.memory_space<vmem>> -> memref<128x64xf32, #tpu.memory_space<vmem>>
      %dma_start3A_878 = arith.constant 0 : i32
      %dma_start3A_879 = tpu.memref_slice %arg4[%add3A_871, %dma_start3A_878] : memref<819200x64xf32, #tpu.memory_space<hbm>> -> memref<128x64xf32, #tpu.memory_space<hbm>>
      %dma_start3A_880 = tpu.memref_slice %arg8[%dma_start3A_873] : memref<8x!tpu.dma_semaphore, #tpu.memory_space<semaphore_mem>> -> memref<1x!tpu.dma_semaphore, #tpu.memory_space<semaphore_mem>>
      %dma_start3A_881 = tpu.memref_squeeze %dma_start3A_880 : memref<1x!tpu.dma_semaphore, #tpu.memory_space<semaphore_mem>> -> memref<!tpu.dma_semaphore, #tpu.memory_space<semaphore_mem>>
      %dma_start3A_882 = arith.constant 0 : i32
      %dma_start3A_883 = tpu.memref_slice %arg4[%add3A_871, %dma_start3A_882] : memref<819200x64xf32, #tpu.memory_space<hbm>> -> memref<128x64xf32, #tpu.memory_space<hbm>>
      %dma_start3A_884 = arith.constant 0 : i32
      %dma_start3A_885 = arith.constant 0 : i32
      %dma_start3A_886 = tpu.memref_slice %arg6[%dma_start3A_872, %dma_start3A_884, %dma_start3A_885] : memref<8x128x64xf32, #tpu.memory_space<vmem>> -> memref<1x128x64xf32, #tpu.memory_space<vmem>>
      %dma_start3A_887 = tpu.memref_squeeze %dma_start3A_886 : memref<1x128x64xf32, #tpu.memory_space<vmem>> -> memref<128x64xf32, #tpu.memory_space<vmem>>
      tpu.enqueue_dma source(%dma_start3A_887 : memref<128x64xf32, #tpu.memory_space<vmem>>) target(%dma_start3A_883 : memref<128x64xf32, #tpu.memory_space<hbm>>) target_semaphore(%dma_start3A_881 : memref<!tpu.dma_semaphore, #tpu.memory_space<semaphore_mem>>)
      %sub3A_888 = arith.constant 2 : i32
      %sub3A_889 = arith.subi %add3A_854, %sub3A_888 : i32
      %mul3A_890 = arith.constant 128 : i32
      %mul3A_891 = arith.muli %sub3A_889, %mul3A_890 : i32
      %add3A_892 = arith.addi %mul3A_2, %mul3A_891 : i32
      %dma_wait3A_893 = arith.constant 4 : i32
      %dma_wait3A_894 = arith.constant 4 : i32
      %dma_wait3A_895 = arith.constant 0 : i32
      %dma_wait3A_896 = arith.constant 0 : i32
      %dma_wait3A_897 = tpu.memref_slice %arg6[%dma_wait3A_893, %dma_wait3A_895, %dma_wait3A_896] : memref<8x128x64xf32, #tpu.memory_space<vmem>> -> memref<1x128x64xf32, #tpu.memory_space<vmem>>
      %dma_wait3A_898 = tpu.memref_squeeze %dma_wait3A_897 : memref<1x128x64xf32, #tpu.memory_space<vmem>> -> memref<128x64xf32, #tpu.memory_space<vmem>>
      %dma_wait3A_899 = arith.constant 0 : i32
      %dma_wait3A_900 = tpu.memref_slice %arg4[%add3A_892, %dma_wait3A_899] : memref<819200x64xf32, #tpu.memory_space<hbm>> -> memref<128x64xf32, #tpu.memory_space<hbm>>
      %dma_wait3A_901 = tpu.memref_slice %arg8[%dma_wait3A_894] : memref<8x!tpu.dma_semaphore, #tpu.memory_space<semaphore_mem>> -> memref<1x!tpu.dma_semaphore, #tpu.memory_space<semaphore_mem>>
      %dma_wait3A_902 = tpu.memref_squeeze %dma_wait3A_901 : memref<1x!tpu.dma_semaphore, #tpu.memory_space<semaphore_mem>> -> memref<!tpu.dma_semaphore, #tpu.memory_space<semaphore_mem>>
      %dma_wait3A_903 = arith.constant 0 : i32
      %dma_wait3A_904 = tpu.memref_slice %arg4[%add3A_892, %dma_wait3A_903] : memref<819200x64xf32, #tpu.memory_space<hbm>> -> memref<128x64xf32, #tpu.memory_space<hbm>>
      %dma_wait3A_905 = arith.constant 0 : i32
      %dma_wait3A_906 = arith.constant 0 : i32
      %dma_wait3A_907 = tpu.memref_slice %arg6[%dma_wait3A_893, %dma_wait3A_905, %dma_wait3A_906] : memref<8x128x64xf32, #tpu.memory_space<vmem>> -> memref<1x128x64xf32, #tpu.memory_space<vmem>>
      %dma_wait3A_908 = tpu.memref_squeeze %dma_wait3A_907 : memref<1x128x64xf32, #tpu.memory_space<vmem>> -> memref<128x64xf32, #tpu.memory_space<vmem>>
      tpu.wait_dma2 semaphore(%dma_wait3A_902 : memref<!tpu.dma_semaphore, #tpu.memory_space<semaphore_mem>>) src(%dma_wait3A_908 : memref<128x64xf32, #tpu.memory_space<vmem>>) dst(%dma_wait3A_904 : memref<128x64xf32, #tpu.memory_space<hbm>>)
      %add3A_909 = arith.constant 8 : i32
      %add3A_910 = arith.addi %add3A_854, %add3A_909 : i32
      %sub3A_911 = arith.constant 2 : i32
      %sub3A_912 = arith.subi %add3A_910, %sub3A_911 : i32
      %dma_start3A_913 = arith.constant 4 : i32
      %dma_start3A_914 = arith.constant 4 : i32
      %dma_start3A_915 = arith.constant 0 : i32
      %dma_start3A_916 = arith.constant 0 : i32
      %dma_start3A_917 = tpu.memref_slice %arg6[%dma_start3A_913, %dma_start3A_915, %dma_start3A_916] : memref<8x128x64xf32, #tpu.memory_space<vmem>> -> memref<1x128x64xf32, #tpu.memory_space<vmem>>
      %dma_start3A_918 = tpu.memref_squeeze %dma_start3A_917 : memref<1x128x64xf32, #tpu.memory_space<vmem>> -> memref<128x64xf32, #tpu.memory_space<vmem>>
      %dma_start3A_919 = arith.constant 0 : i32
      %dma_start3A_920 = tpu.memref_slice %arg5[%sub3A_912, %dma_start3A_919] : memref<200x128xi32, #tpu.memory_space<vmem>> -> memref<1x128xi32, #tpu.memory_space<vmem>>
      %dma_start3A_921 = tpu.memref_squeeze %dma_start3A_920 : memref<1x128xi32, #tpu.memory_space<vmem>> -> memref<128xi32, #tpu.memory_space<vmem>>
      %dma_start3A_922 = arith.constant 0 : i32
      %dma_start3A_923 = arith.constant 0 : i32
      %dma_start3A_924 = tpu.memref_slice %arg3[%dma_start3A_922, %dma_start3A_923] : memref<1000000x64xf32, #tpu.memory_space<hbm>> -> memref<1000000x64xf32, #tpu.memory_space<hbm>>
      %dma_start3A_925 = tpu.memref_slice %arg7[%dma_start3A_914] : memref<8x!tpu.dma_semaphore, #tpu.memory_space<semaphore_mem>> -> memref<1x!tpu.dma_semaphore, #tpu.memory_space<semaphore_mem>>
      %dma_start3A_926 = tpu.memref_squeeze %dma_start3A_925 : memref<1x!tpu.dma_semaphore, #tpu.memory_space<semaphore_mem>> -> memref<!tpu.dma_semaphore, #tpu.memory_space<semaphore_mem>>
      tpu.enqueue_indirect_dma source(%dma_start3A_924 : memref<1000000x64xf32, #tpu.memory_space<hbm>>) target(%dma_start3A_918 : memref<128x64xf32, #tpu.memory_space<vmem>>) offsets(%dma_start3A_921 : memref<128xi32, #tpu.memory_space<vmem>>) semaphore(%dma_start3A_926 : memref<!tpu.dma_semaphore, #tpu.memory_space<semaphore_mem>>)
      %mul3A_927 = arith.constant 8 : i32
      %mul3A_928 = arith.muli %add3A_537, %mul3A_927 : i32
      %add3A_929 = arith.constant 2 : i32
      %add3A_930 = arith.addi %add3A_929, %mul3A_928 : i32
      %add3A_931 = arith.constant 5 : i32
      %add3A_932 = arith.addi %add3A_930, %add3A_931 : i32
      %dma_wait3A_933 = arith.constant 7 : i32
      %dma_wait3A_934 = arith.constant 7 : i32
      %dma_wait3A_935 = arith.constant 0 : i32
      %dma_wait3A_936 = arith.constant 0 : i32
      %dma_wait3A_937 = tpu.memref_slice %arg6[%dma_wait3A_933, %dma_wait3A_935, %dma_wait3A_936] : memref<8x128x64xf32, #tpu.memory_space<vmem>> -> memref<1x128x64xf32, #tpu.memory_space<vmem>>
      %dma_wait3A_938 = tpu.memref_squeeze %dma_wait3A_937 : memref<1x128x64xf32, #tpu.memory_space<vmem>> -> memref<128x64xf32, #tpu.memory_space<vmem>>
      %dma_wait3A_939 = arith.constant 0 : i32
      %dma_wait3A_940 = tpu.memref_slice %arg5[%add3A_932, %dma_wait3A_939] : memref<200x128xi32, #tpu.memory_space<vmem>> -> memref<1x128xi32, #tpu.memory_space<vmem>>
      %dma_wait3A_941 = tpu.memref_squeeze %dma_wait3A_940 : memref<1x128xi32, #tpu.memory_space<vmem>> -> memref<128xi32, #tpu.memory_space<vmem>>
      %dma_wait3A_942 = arith.constant 0 : i32
      %dma_wait3A_943 = arith.constant 0 : i32
      %dma_wait3A_944 = tpu.memref_slice %arg3[%dma_wait3A_942, %dma_wait3A_943] : memref<1000000x64xf32, #tpu.memory_space<hbm>> -> memref<1000000x64xf32, #tpu.memory_space<hbm>>
      %dma_wait3A_945 = tpu.memref_slice %arg7[%dma_wait3A_934] : memref<8x!tpu.dma_semaphore, #tpu.memory_space<semaphore_mem>> -> memref<1x!tpu.dma_semaphore, #tpu.memory_space<semaphore_mem>>
      %dma_wait3A_946 = tpu.memref_squeeze %dma_wait3A_945 : memref<1x!tpu.dma_semaphore, #tpu.memory_space<semaphore_mem>> -> memref<!tpu.dma_semaphore, #tpu.memory_space<semaphore_mem>>
      tpu.wait_indirect_dma semaphore(%dma_wait3A_946 : memref<!tpu.dma_semaphore, #tpu.memory_space<semaphore_mem>>) src(%dma_wait3A_944 : memref<1000000x64xf32, #tpu.memory_space<hbm>>) dst(%dma_wait3A_938 : memref<128x64xf32, #tpu.memory_space<vmem>>)
      %mul3A_947 = arith.constant 128 : i32
      %mul3A_948 = arith.muli %add3A_932, %mul3A_947 : i32
      %add3A_949 = arith.addi %mul3A_2, %mul3A_948 : i32
      %dma_start3A_950 = arith.constant 7 : i32
      %dma_start3A_951 = arith.constant 7 : i32
      %dma_start3A_952 = arith.constant 0 : i32
      %dma_start3A_953 = arith.constant 0 : i32
      %dma_start3A_954 = tpu.memref_slice %arg6[%dma_start3A_950, %dma_start3A_952, %dma_start3A_953] : memref<8x128x64xf32, #tpu.memory_space<vmem>> -> memref<1x128x64xf32, #tpu.memory_space<vmem>>
      %dma_start3A_955 = tpu.memref_squeeze %dma_start3A_954 : memref<1x128x64xf32, #tpu.memory_space<vmem>> -> memref<128x64xf32, #tpu.memory_space<vmem>>
      %dma_start3A_956 = arith.constant 0 : i32
      %dma_start3A_957 = tpu.memref_slice %arg4[%add3A_949, %dma_start3A_956] : memref<819200x64xf32, #tpu.memory_space<hbm>> -> memref<128x64xf32, #tpu.memory_space<hbm>>
      %dma_start3A_958 = tpu.memref_slice %arg8[%dma_start3A_951] : memref<8x!tpu.dma_semaphore, #tpu.memory_space<semaphore_mem>> -> memref<1x!tpu.dma_semaphore, #tpu.memory_space<semaphore_mem>>
      %dma_start3A_959 = tpu.memref_squeeze %dma_start3A_958 : memref<1x!tpu.dma_semaphore, #tpu.memory_space<semaphore_mem>> -> memref<!tpu.dma_semaphore, #tpu.memory_space<semaphore_mem>>
      %dma_start3A_960 = arith.constant 0 : i32
      %dma_start3A_961 = tpu.memref_slice %arg4[%add3A_949, %dma_start3A_960] : memref<819200x64xf32, #tpu.memory_space<hbm>> -> memref<128x64xf32, #tpu.memory_space<hbm>>
      %dma_start3A_962 = arith.constant 0 : i32
      %dma_start3A_963 = arith.constant 0 : i32
      %dma_start3A_964 = tpu.memref_slice %arg6[%dma_start3A_950, %dma_start3A_962, %dma_start3A_963] : memref<8x128x64xf32, #tpu.memory_space<vmem>> -> memref<1x128x64xf32, #tpu.memory_space<vmem>>
      %dma_start3A_965 = tpu.memref_squeeze %dma_start3A_964 : memref<1x128x64xf32, #tpu.memory_space<vmem>> -> memref<128x64xf32, #tpu.memory_space<vmem>>
      tpu.enqueue_dma source(%dma_start3A_965 : memref<128x64xf32, #tpu.memory_space<vmem>>) target(%dma_start3A_961 : memref<128x64xf32, #tpu.memory_space<hbm>>) target_semaphore(%dma_start3A_959 : memref<!tpu.dma_semaphore, #tpu.memory_space<semaphore_mem>>)
      %sub3A_966 = arith.constant 2 : i32
      %sub3A_967 = arith.subi %add3A_932, %sub3A_966 : i32
      %mul3A_968 = arith.constant 128 : i32
      %mul3A_969 = arith.muli %sub3A_967, %mul3A_968 : i32
      %add3A_970 = arith.addi %mul3A_2, %mul3A_969 : i32
      %dma_wait3A_971 = arith.constant 5 : i32
      %dma_wait3A_972 = arith.constant 5 : i32
      %dma_wait3A_973 = arith.constant 0 : i32
      %dma_wait3A_974 = arith.constant 0 : i32
      %dma_wait3A_975 = tpu.memref_slice %arg6[%dma_wait3A_971, %dma_wait3A_973, %dma_wait3A_974] : memref<8x128x64xf32, #tpu.memory_space<vmem>> -> memref<1x128x64xf32, #tpu.memory_space<vmem>>
      %dma_wait3A_976 = tpu.memref_squeeze %dma_wait3A_975 : memref<1x128x64xf32, #tpu.memory_space<vmem>> -> memref<128x64xf32, #tpu.memory_space<vmem>>
      %dma_wait3A_977 = arith.constant 0 : i32
      %dma_wait3A_978 = tpu.memref_slice %arg4[%add3A_970, %dma_wait3A_977] : memref<819200x64xf32, #tpu.memory_space<hbm>> -> memref<128x64xf32, #tpu.memory_space<hbm>>
      %dma_wait3A_979 = tpu.memref_slice %arg8[%dma_wait3A_972] : memref<8x!tpu.dma_semaphore, #tpu.memory_space<semaphore_mem>> -> memref<1x!tpu.dma_semaphore, #tpu.memory_space<semaphore_mem>>
      %dma_wait3A_980 = tpu.memref_squeeze %dma_wait3A_979 : memref<1x!tpu.dma_semaphore, #tpu.memory_space<semaphore_mem>> -> memref<!tpu.dma_semaphore, #tpu.memory_space<semaphore_mem>>
      %dma_wait3A_981 = arith.constant 0 : i32
      %dma_wait3A_982 = tpu.memref_slice %arg4[%add3A_970, %dma_wait3A_981] : memref<819200x64xf32, #tpu.memory_space<hbm>> -> memref<128x64xf32, #tpu.memory_space<hbm>>
      %dma_wait3A_983 = arith.constant 0 : i32
      %dma_wait3A_984 = arith.constant 0 : i32
      %dma_wait3A_985 = tpu.memref_slice %arg6[%dma_wait3A_971, %dma_wait3A_983, %dma_wait3A_984] : memref<8x128x64xf32, #tpu.memory_space<vmem>> -> memref<1x128x64xf32, #tpu.memory_space<vmem>>
      %dma_wait3A_986 = tpu.memref_squeeze %dma_wait3A_985 : memref<1x128x64xf32, #tpu.memory_space<vmem>> -> memref<128x64xf32, #tpu.memory_space<vmem>>
      tpu.wait_dma2 semaphore(%dma_wait3A_980 : memref<!tpu.dma_semaphore, #tpu.memory_space<semaphore_mem>>) src(%dma_wait3A_986 : memref<128x64xf32, #tpu.memory_space<vmem>>) dst(%dma_wait3A_982 : memref<128x64xf32, #tpu.memory_space<hbm>>)
      %add3A_987 = arith.constant 8 : i32
      %add3A_988 = arith.addi %add3A_932, %add3A_987 : i32
      %sub3A_989 = arith.constant 2 : i32
      %sub3A_990 = arith.subi %add3A_988, %sub3A_989 : i32
      %dma_start3A_991 = arith.constant 5 : i32
      %dma_start3A_992 = arith.constant 5 : i32
      %dma_start3A_993 = arith.constant 0 : i32
      %dma_start3A_994 = arith.constant 0 : i32
      %dma_start3A_995 = tpu.memref_slice %arg6[%dma_start3A_991, %dma_start3A_993, %dma_start3A_994] : memref<8x128x64xf32, #tpu.memory_space<vmem>> -> memref<1x128x64xf32, #tpu.memory_space<vmem>>
      %dma_start3A_996 = tpu.memref_squeeze %dma_start3A_995 : memref<1x128x64xf32, #tpu.memory_space<vmem>> -> memref<128x64xf32, #tpu.memory_space<vmem>>
      %dma_start3A_997 = arith.constant 0 : i32
      %dma_start3A_998 = tpu.memref_slice %arg5[%sub3A_990, %dma_start3A_997] : memref<200x128xi32, #tpu.memory_space<vmem>> -> memref<1x128xi32, #tpu.memory_space<vmem>>
      %dma_start3A_999 = tpu.memref_squeeze %dma_start3A_998 : memref<1x128xi32, #tpu.memory_space<vmem>> -> memref<128xi32, #tpu.memory_space<vmem>>
      %dma_start3A_1000 = arith.constant 0 : i32
      %dma_start3A_1001 = arith.constant 0 : i32
      %dma_start3A_1002 = tpu.memref_slice %arg3[%dma_start3A_1000, %dma_start3A_1001] : memref<1000000x64xf32, #tpu.memory_space<hbm>> -> memref<1000000x64xf32, #tpu.memory_space<hbm>>
      %dma_start3A_1003 = tpu.memref_slice %arg7[%dma_start3A_992] : memref<8x!tpu.dma_semaphore, #tpu.memory_space<semaphore_mem>> -> memref<1x!tpu.dma_semaphore, #tpu.memory_space<semaphore_mem>>
      %dma_start3A_1004 = tpu.memref_squeeze %dma_start3A_1003 : memref<1x!tpu.dma_semaphore, #tpu.memory_space<semaphore_mem>> -> memref<!tpu.dma_semaphore, #tpu.memory_space<semaphore_mem>>
      tpu.enqueue_indirect_dma source(%dma_start3A_1002 : memref<1000000x64xf32, #tpu.memory_space<hbm>>) target(%dma_start3A_996 : memref<128x64xf32, #tpu.memory_space<vmem>>) offsets(%dma_start3A_999 : memref<128xi32, #tpu.memory_space<vmem>>) semaphore(%dma_start3A_1004 : memref<!tpu.dma_semaphore, #tpu.memory_space<semaphore_mem>>)
      %mul3A_1005 = arith.constant 8 : i32
      %mul3A_1006 = arith.muli %add3A_537, %mul3A_1005 : i32
      %add3A_1007 = arith.constant 2 : i32
      %add3A_1008 = arith.addi %add3A_1007, %mul3A_1006 : i32
      %add3A_1009 = arith.constant 6 : i32
      %add3A_1010 = arith.addi %add3A_1008, %add3A_1009 : i32
      %dma_wait3A_1011 = arith.constant 0 : i32
      %dma_wait3A_1012 = arith.constant 0 : i32
      %dma_wait3A_1013 = arith.constant 0 : i32
      %dma_wait3A_1014 = arith.constant 0 : i32
      %dma_wait3A_1015 = tpu.memref_slice %arg6[%dma_wait3A_1011, %dma_wait3A_1013, %dma_wait3A_1014] : memref<8x128x64xf32, #tpu.memory_space<vmem>> -> memref<1x128x64xf32, #tpu.memory_space<vmem>>
      %dma_wait3A_1016 = tpu.memref_squeeze %dma_wait3A_1015 : memref<1x128x64xf32, #tpu.memory_space<vmem>> -> memref<128x64xf32, #tpu.memory_space<vmem>>
      %dma_wait3A_1017 = arith.constant 0 : i32
      %dma_wait3A_1018 = tpu.memref_slice %arg5[%add3A_1010, %dma_wait3A_1017] : memref<200x128xi32, #tpu.memory_space<vmem>> -> memref<1x128xi32, #tpu.memory_space<vmem>>
      %dma_wait3A_1019 = tpu.memref_squeeze %dma_wait3A_1018 : memref<1x128xi32, #tpu.memory_space<vmem>> -> memref<128xi32, #tpu.memory_space<vmem>>
      %dma_wait3A_1020 = arith.constant 0 : i32
      %dma_wait3A_1021 = arith.constant 0 : i32
      %dma_wait3A_1022 = tpu.memref_slice %arg3[%dma_wait3A_1020, %dma_wait3A_1021] : memref<1000000x64xf32, #tpu.memory_space<hbm>> -> memref<1000000x64xf32, #tpu.memory_space<hbm>>
      %dma_wait3A_1023 = tpu.memref_slice %arg7[%dma_wait3A_1012] : memref<8x!tpu.dma_semaphore, #tpu.memory_space<semaphore_mem>> -> memref<1x!tpu.dma_semaphore, #tpu.memory_space<semaphore_mem>>
      %dma_wait3A_1024 = tpu.memref_squeeze %dma_wait3A_1023 : memref<1x!tpu.dma_semaphore, #tpu.memory_space<semaphore_mem>> -> memref<!tpu.dma_semaphore, #tpu.memory_space<semaphore_mem>>
      tpu.wait_indirect_dma semaphore(%dma_wait3A_1024 : memref<!tpu.dma_semaphore, #tpu.memory_space<semaphore_mem>>) src(%dma_wait3A_1022 : memref<1000000x64xf32, #tpu.memory_space<hbm>>) dst(%dma_wait3A_1016 : memref<128x64xf32, #tpu.memory_space<vmem>>)
      %mul3A_1025 = arith.constant 128 : i32
      %mul3A_1026 = arith.muli %add3A_1010, %mul3A_1025 : i32
      %add3A_1027 = arith.addi %mul3A_2, %mul3A_1026 : i32
      %dma_start3A_1028 = arith.constant 0 : i32
      %dma_start3A_1029 = arith.constant 0 : i32
      %dma_start3A_1030 = arith.constant 0 : i32
      %dma_start3A_1031 = arith.constant 0 : i32
      %dma_start3A_1032 = tpu.memref_slice %arg6[%dma_start3A_1028, %dma_start3A_1030, %dma_start3A_1031] : memref<8x128x64xf32, #tpu.memory_space<vmem>> -> memref<1x128x64xf32, #tpu.memory_space<vmem>>
      %dma_start3A_1033 = tpu.memref_squeeze %dma_start3A_1032 : memref<1x128x64xf32, #tpu.memory_space<vmem>> -> memref<128x64xf32, #tpu.memory_space<vmem>>
      %dma_start3A_1034 = arith.constant 0 : i32
      %dma_start3A_1035 = tpu.memref_slice %arg4[%add3A_1027, %dma_start3A_1034] : memref<819200x64xf32, #tpu.memory_space<hbm>> -> memref<128x64xf32, #tpu.memory_space<hbm>>
      %dma_start3A_1036 = tpu.memref_slice %arg8[%dma_start3A_1029] : memref<8x!tpu.dma_semaphore, #tpu.memory_space<semaphore_mem>> -> memref<1x!tpu.dma_semaphore, #tpu.memory_space<semaphore_mem>>
      %dma_start3A_1037 = tpu.memref_squeeze %dma_start3A_1036 : memref<1x!tpu.dma_semaphore, #tpu.memory_space<semaphore_mem>> -> memref<!tpu.dma_semaphore, #tpu.memory_space<semaphore_mem>>
      %dma_start3A_1038 = arith.constant 0 : i32
      %dma_start3A_1039 = tpu.memref_slice %arg4[%add3A_1027, %dma_start3A_1038] : memref<819200x64xf32, #tpu.memory_space<hbm>> -> memref<128x64xf32, #tpu.memory_space<hbm>>
      %dma_start3A_1040 = arith.constant 0 : i32
      %dma_start3A_1041 = arith.constant 0 : i32
      %dma_start3A_1042 = tpu.memref_slice %arg6[%dma_start3A_1028, %dma_start3A_1040, %dma_start3A_1041] : memref<8x128x64xf32, #tpu.memory_space<vmem>> -> memref<1x128x64xf32, #tpu.memory_space<vmem>>
      %dma_start3A_1043 = tpu.memref_squeeze %dma_start3A_1042 : memref<1x128x64xf32, #tpu.memory_space<vmem>> -> memref<128x64xf32, #tpu.memory_space<vmem>>
      tpu.enqueue_dma source(%dma_start3A_1043 : memref<128x64xf32, #tpu.memory_space<vmem>>) target(%dma_start3A_1039 : memref<128x64xf32, #tpu.memory_space<hbm>>) target_semaphore(%dma_start3A_1037 : memref<!tpu.dma_semaphore, #tpu.memory_space<semaphore_mem>>)
      %sub3A_1044 = arith.constant 2 : i32
      %sub3A_1045 = arith.subi %add3A_1010, %sub3A_1044 : i32
      %mul3A_1046 = arith.constant 128 : i32
      %mul3A_1047 = arith.muli %sub3A_1045, %mul3A_1046 : i32
      %add3A_1048 = arith.addi %mul3A_2, %mul3A_1047 : i32
      %dma_wait3A_1049 = arith.constant 6 : i32
      %dma_wait3A_1050 = arith.constant 6 : i32
      %dma_wait3A_1051 = arith.constant 0 : i32
      %dma_wait3A_1052 = arith.constant 0 : i32
      %dma_wait3A_1053 = tpu.memref_slice %arg6[%dma_wait3A_1049, %dma_wait3A_1051, %dma_wait3A_1052] : memref<8x128x64xf32, #tpu.memory_space<vmem>> -> memref<1x128x64xf32, #tpu.memory_space<vmem>>
      %dma_wait3A_1054 = tpu.memref_squeeze %dma_wait3A_1053 : memref<1x128x64xf32, #tpu.memory_space<vmem>> -> memref<128x64xf32, #tpu.memory_space<vmem>>
      %dma_wait3A_1055 = arith.constant 0 : i32
      %dma_wait3A_1056 = tpu.memref_slice %arg4[%add3A_1048, %dma_wait3A_1055] : memref<819200x64xf32, #tpu.memory_space<hbm>> -> memref<128x64xf32, #tpu.memory_space<hbm>>
      %dma_wait3A_1057 = tpu.memref_slice %arg8[%dma_wait3A_1050] : memref<8x!tpu.dma_semaphore, #tpu.memory_space<semaphore_mem>> -> memref<1x!tpu.dma_semaphore, #tpu.memory_space<semaphore_mem>>
      %dma_wait3A_1058 = tpu.memref_squeeze %dma_wait3A_1057 : memref<1x!tpu.dma_semaphore, #tpu.memory_space<semaphore_mem>> -> memref<!tpu.dma_semaphore, #tpu.memory_space<semaphore_mem>>
      %dma_wait3A_1059 = arith.constant 0 : i32
      %dma_wait3A_1060 = tpu.memref_slice %arg4[%add3A_1048, %dma_wait3A_1059] : memref<819200x64xf32, #tpu.memory_space<hbm>> -> memref<128x64xf32, #tpu.memory_space<hbm>>
      %dma_wait3A_1061 = arith.constant 0 : i32
      %dma_wait3A_1062 = arith.constant 0 : i32
      %dma_wait3A_1063 = tpu.memref_slice %arg6[%dma_wait3A_1049, %dma_wait3A_1061, %dma_wait3A_1062] : memref<8x128x64xf32, #tpu.memory_space<vmem>> -> memref<1x128x64xf32, #tpu.memory_space<vmem>>
      %dma_wait3A_1064 = tpu.memref_squeeze %dma_wait3A_1063 : memref<1x128x64xf32, #tpu.memory_space<vmem>> -> memref<128x64xf32, #tpu.memory_space<vmem>>
      tpu.wait_dma2 semaphore(%dma_wait3A_1058 : memref<!tpu.dma_semaphore, #tpu.memory_space<semaphore_mem>>) src(%dma_wait3A_1064 : memref<128x64xf32, #tpu.memory_space<vmem>>) dst(%dma_wait3A_1060 : memref<128x64xf32, #tpu.memory_space<hbm>>)
      %add3A_1065 = arith.constant 8 : i32
      %add3A_1066 = arith.addi %add3A_1010, %add3A_1065 : i32
      %sub3A_1067 = arith.constant 2 : i32
      %sub3A_1068 = arith.subi %add3A_1066, %sub3A_1067 : i32
      %dma_start3A_1069 = arith.constant 6 : i32
      %dma_start3A_1070 = arith.constant 6 : i32
      %dma_start3A_1071 = arith.constant 0 : i32
      %dma_start3A_1072 = arith.constant 0 : i32
      %dma_start3A_1073 = tpu.memref_slice %arg6[%dma_start3A_1069, %dma_start3A_1071, %dma_start3A_1072] : memref<8x128x64xf32, #tpu.memory_space<vmem>> -> memref<1x128x64xf32, #tpu.memory_space<vmem>>
      %dma_start3A_1074 = tpu.memref_squeeze %dma_start3A_1073 : memref<1x128x64xf32, #tpu.memory_space<vmem>> -> memref<128x64xf32, #tpu.memory_space<vmem>>
      %dma_start3A_1075 = arith.constant 0 : i32
      %dma_start3A_1076 = tpu.memref_slice %arg5[%sub3A_1068, %dma_start3A_1075] : memref<200x128xi32, #tpu.memory_space<vmem>> -> memref<1x128xi32, #tpu.memory_space<vmem>>
      %dma_start3A_1077 = tpu.memref_squeeze %dma_start3A_1076 : memref<1x128xi32, #tpu.memory_space<vmem>> -> memref<128xi32, #tpu.memory_space<vmem>>
      %dma_start3A_1078 = arith.constant 0 : i32
      %dma_start3A_1079 = arith.constant 0 : i32
      %dma_start3A_1080 = tpu.memref_slice %arg3[%dma_start3A_1078, %dma_start3A_1079] : memref<1000000x64xf32, #tpu.memory_space<hbm>> -> memref<1000000x64xf32, #tpu.memory_space<hbm>>
      %dma_start3A_1081 = tpu.memref_slice %arg7[%dma_start3A_1070] : memref<8x!tpu.dma_semaphore, #tpu.memory_space<semaphore_mem>> -> memref<1x!tpu.dma_semaphore, #tpu.memory_space<semaphore_mem>>
      %dma_start3A_1082 = tpu.memref_squeeze %dma_start3A_1081 : memref<1x!tpu.dma_semaphore, #tpu.memory_space<semaphore_mem>> -> memref<!tpu.dma_semaphore, #tpu.memory_space<semaphore_mem>>
      tpu.enqueue_indirect_dma source(%dma_start3A_1080 : memref<1000000x64xf32, #tpu.memory_space<hbm>>) target(%dma_start3A_1074 : memref<128x64xf32, #tpu.memory_space<vmem>>) offsets(%dma_start3A_1077 : memref<128xi32, #tpu.memory_space<vmem>>) semaphore(%dma_start3A_1082 : memref<!tpu.dma_semaphore, #tpu.memory_space<semaphore_mem>>)
      %mul3A_1083 = arith.constant 8 : i32
      %mul3A_1084 = arith.muli %add3A_537, %mul3A_1083 : i32
      %add3A_1085 = arith.constant 2 : i32
      %add3A_1086 = arith.addi %add3A_1085, %mul3A_1084 : i32
      %add3A_1087 = arith.constant 7 : i32
      %add3A_1088 = arith.addi %add3A_1086, %add3A_1087 : i32
      %dma_wait3A_1089 = arith.constant 1 : i32
      %dma_wait3A_1090 = arith.constant 1 : i32
      %dma_wait3A_1091 = arith.constant 0 : i32
      %dma_wait3A_1092 = arith.constant 0 : i32
      %dma_wait3A_1093 = tpu.memref_slice %arg6[%dma_wait3A_1089, %dma_wait3A_1091, %dma_wait3A_1092] : memref<8x128x64xf32, #tpu.memory_space<vmem>> -> memref<1x128x64xf32, #tpu.memory_space<vmem>>
      %dma_wait3A_1094 = tpu.memref_squeeze %dma_wait3A_1093 : memref<1x128x64xf32, #tpu.memory_space<vmem>> -> memref<128x64xf32, #tpu.memory_space<vmem>>
      %dma_wait3A_1095 = arith.constant 0 : i32
      %dma_wait3A_1096 = tpu.memref_slice %arg5[%add3A_1088, %dma_wait3A_1095] : memref<200x128xi32, #tpu.memory_space<vmem>> -> memref<1x128xi32, #tpu.memory_space<vmem>>
      %dma_wait3A_1097 = tpu.memref_squeeze %dma_wait3A_1096 : memref<1x128xi32, #tpu.memory_space<vmem>> -> memref<128xi32, #tpu.memory_space<vmem>>
      %dma_wait3A_1098 = arith.constant 0 : i32
      %dma_wait3A_1099 = arith.constant 0 : i32
      %dma_wait3A_1100 = tpu.memref_slice %arg3[%dma_wait3A_1098, %dma_wait3A_1099] : memref<1000000x64xf32, #tpu.memory_space<hbm>> -> memref<1000000x64xf32, #tpu.memory_space<hbm>>
      %dma_wait3A_1101 = tpu.memref_slice %arg7[%dma_wait3A_1090] : memref<8x!tpu.dma_semaphore, #tpu.memory_space<semaphore_mem>> -> memref<1x!tpu.dma_semaphore, #tpu.memory_space<semaphore_mem>>
      %dma_wait3A_1102 = tpu.memref_squeeze %dma_wait3A_1101 : memref<1x!tpu.dma_semaphore, #tpu.memory_space<semaphore_mem>> -> memref<!tpu.dma_semaphore, #tpu.memory_space<semaphore_mem>>
      tpu.wait_indirect_dma semaphore(%dma_wait3A_1102 : memref<!tpu.dma_semaphore, #tpu.memory_space<semaphore_mem>>) src(%dma_wait3A_1100 : memref<1000000x64xf32, #tpu.memory_space<hbm>>) dst(%dma_wait3A_1094 : memref<128x64xf32, #tpu.memory_space<vmem>>)
      %mul3A_1103 = arith.constant 128 : i32
      %mul3A_1104 = arith.muli %add3A_1088, %mul3A_1103 : i32
      %add3A_1105 = arith.addi %mul3A_2, %mul3A_1104 : i32
      %dma_start3A_1106 = arith.constant 1 : i32
      %dma_start3A_1107 = arith.constant 1 : i32
      %dma_start3A_1108 = arith.constant 0 : i32
      %dma_start3A_1109 = arith.constant 0 : i32
      %dma_start3A_1110 = tpu.memref_slice %arg6[%dma_start3A_1106, %dma_start3A_1108, %dma_start3A_1109] : memref<8x128x64xf32, #tpu.memory_space<vmem>> -> memref<1x128x64xf32, #tpu.memory_space<vmem>>
      %dma_start3A_1111 = tpu.memref_squeeze %dma_start3A_1110 : memref<1x128x64xf32, #tpu.memory_space<vmem>> -> memref<128x64xf32, #tpu.memory_space<vmem>>
      %dma_start3A_1112 = arith.constant 0 : i32
      %dma_start3A_1113 = tpu.memref_slice %arg4[%add3A_1105, %dma_start3A_1112] : memref<819200x64xf32, #tpu.memory_space<hbm>> -> memref<128x64xf32, #tpu.memory_space<hbm>>
      %dma_start3A_1114 = tpu.memref_slice %arg8[%dma_start3A_1107] : memref<8x!tpu.dma_semaphore, #tpu.memory_space<semaphore_mem>> -> memref<1x!tpu.dma_semaphore, #tpu.memory_space<semaphore_mem>>
      %dma_start3A_1115 = tpu.memref_squeeze %dma_start3A_1114 : memref<1x!tpu.dma_semaphore, #tpu.memory_space<semaphore_mem>> -> memref<!tpu.dma_semaphore, #tpu.memory_space<semaphore_mem>>
      %dma_start3A_1116 = arith.constant 0 : i32
      %dma_start3A_1117 = tpu.memref_slice %arg4[%add3A_1105, %dma_start3A_1116] : memref<819200x64xf32, #tpu.memory_space<hbm>> -> memref<128x64xf32, #tpu.memory_space<hbm>>
      %dma_start3A_1118 = arith.constant 0 : i32
      %dma_start3A_1119 = arith.constant 0 : i32
      %dma_start3A_1120 = tpu.memref_slice %arg6[%dma_start3A_1106, %dma_start3A_1118, %dma_start3A_1119] : memref<8x128x64xf32, #tpu.memory_space<vmem>> -> memref<1x128x64xf32, #tpu.memory_space<vmem>>
      %dma_start3A_1121 = tpu.memref_squeeze %dma_start3A_1120 : memref<1x128x64xf32, #tpu.memory_space<vmem>> -> memref<128x64xf32, #tpu.memory_space<vmem>>
      tpu.enqueue_dma source(%dma_start3A_1121 : memref<128x64xf32, #tpu.memory_space<vmem>>) target(%dma_start3A_1117 : memref<128x64xf32, #tpu.memory_space<hbm>>) target_semaphore(%dma_start3A_1115 : memref<!tpu.dma_semaphore, #tpu.memory_space<semaphore_mem>>)
      %sub3A_1122 = arith.constant 2 : i32
      %sub3A_1123 = arith.subi %add3A_1088, %sub3A_1122 : i32
      %mul3A_1124 = arith.constant 128 : i32
      %mul3A_1125 = arith.muli %sub3A_1123, %mul3A_1124 : i32
      %add3A_1126 = arith.addi %mul3A_2, %mul3A_1125 : i32
      %dma_wait3A_1127 = arith.constant 7 : i32
      %dma_wait3A_1128 = arith.constant 7 : i32
      %dma_wait3A_1129 = arith.constant 0 : i32
      %dma_wait3A_1130 = arith.constant 0 : i32
      %dma_wait3A_1131 = tpu.memref_slice %arg6[%dma_wait3A_1127, %dma_wait3A_1129, %dma_wait3A_1130] : memref<8x128x64xf32, #tpu.memory_space<vmem>> -> memref<1x128x64xf32, #tpu.memory_space<vmem>>
      %dma_wait3A_1132 = tpu.memref_squeeze %dma_wait3A_1131 : memref<1x128x64xf32, #tpu.memory_space<vmem>> -> memref<128x64xf32, #tpu.memory_space<vmem>>
      %dma_wait3A_1133 = arith.constant 0 : i32
      %dma_wait3A_1134 = tpu.memref_slice %arg4[%add3A_1126, %dma_wait3A_1133] : memref<819200x64xf32, #tpu.memory_space<hbm>> -> memref<128x64xf32, #tpu.memory_space<hbm>>
      %dma_wait3A_1135 = tpu.memref_slice %arg8[%dma_wait3A_1128] : memref<8x!tpu.dma_semaphore, #tpu.memory_space<semaphore_mem>> -> memref<1x!tpu.dma_semaphore, #tpu.memory_space<semaphore_mem>>
      %dma_wait3A_1136 = tpu.memref_squeeze %dma_wait3A_1135 : memref<1x!tpu.dma_semaphore, #tpu.memory_space<semaphore_mem>> -> memref<!tpu.dma_semaphore, #tpu.memory_space<semaphore_mem>>
      %dma_wait3A_1137 = arith.constant 0 : i32
      %dma_wait3A_1138 = tpu.memref_slice %arg4[%add3A_1126, %dma_wait3A_1137] : memref<819200x64xf32, #tpu.memory_space<hbm>> -> memref<128x64xf32, #tpu.memory_space<hbm>>
      %dma_wait3A_1139 = arith.constant 0 : i32
      %dma_wait3A_1140 = arith.constant 0 : i32
      %dma_wait3A_1141 = tpu.memref_slice %arg6[%dma_wait3A_1127, %dma_wait3A_1139, %dma_wait3A_1140] : memref<8x128x64xf32, #tpu.memory_space<vmem>> -> memref<1x128x64xf32, #tpu.memory_space<vmem>>
      %dma_wait3A_1142 = tpu.memref_squeeze %dma_wait3A_1141 : memref<1x128x64xf32, #tpu.memory_space<vmem>> -> memref<128x64xf32, #tpu.memory_space<vmem>>
      tpu.wait_dma2 semaphore(%dma_wait3A_1136 : memref<!tpu.dma_semaphore, #tpu.memory_space<semaphore_mem>>) src(%dma_wait3A_1142 : memref<128x64xf32, #tpu.memory_space<vmem>>) dst(%dma_wait3A_1138 : memref<128x64xf32, #tpu.memory_space<hbm>>)
      %add3A_1143 = arith.constant 8 : i32
      %add3A_1144 = arith.addi %add3A_1088, %add3A_1143 : i32
      %sub3A_1145 = arith.constant 2 : i32
      %sub3A_1146 = arith.subi %add3A_1144, %sub3A_1145 : i32
      %dma_start3A_1147 = arith.constant 7 : i32
      %dma_start3A_1148 = arith.constant 7 : i32
      %dma_start3A_1149 = arith.constant 0 : i32
      %dma_start3A_1150 = arith.constant 0 : i32
      %dma_start3A_1151 = tpu.memref_slice %arg6[%dma_start3A_1147, %dma_start3A_1149, %dma_start3A_1150] : memref<8x128x64xf32, #tpu.memory_space<vmem>> -> memref<1x128x64xf32, #tpu.memory_space<vmem>>
      %dma_start3A_1152 = tpu.memref_squeeze %dma_start3A_1151 : memref<1x128x64xf32, #tpu.memory_space<vmem>> -> memref<128x64xf32, #tpu.memory_space<vmem>>
      %dma_start3A_1153 = arith.constant 0 : i32
      %dma_start3A_1154 = tpu.memref_slice %arg5[%sub3A_1146, %dma_start3A_1153] : memref<200x128xi32, #tpu.memory_space<vmem>> -> memref<1x128xi32, #tpu.memory_space<vmem>>
      %dma_start3A_1155 = tpu.memref_squeeze %dma_start3A_1154 : memref<1x128xi32, #tpu.memory_space<vmem>> -> memref<128xi32, #tpu.memory_space<vmem>>
      %dma_start3A_1156 = arith.constant 0 : i32
      %dma_start3A_1157 = arith.constant 0 : i32
      %dma_start3A_1158 = tpu.memref_slice %arg3[%dma_start3A_1156, %dma_start3A_1157] : memref<1000000x64xf32, #tpu.memory_space<hbm>> -> memref<1000000x64xf32, #tpu.memory_space<hbm>>
      %dma_start3A_1159 = tpu.memref_slice %arg7[%dma_start3A_1148] : memref<8x!tpu.dma_semaphore, #tpu.memory_space<semaphore_mem>> -> memref<1x!tpu.dma_semaphore, #tpu.memory_space<semaphore_mem>>
      %dma_start3A_1160 = tpu.memref_squeeze %dma_start3A_1159 : memref<1x!tpu.dma_semaphore, #tpu.memory_space<semaphore_mem>> -> memref<!tpu.dma_semaphore, #tpu.memory_space<semaphore_mem>>
      tpu.enqueue_indirect_dma source(%dma_start3A_1158 : memref<1000000x64xf32, #tpu.memory_space<hbm>>) target(%dma_start3A_1152 : memref<128x64xf32, #tpu.memory_space<vmem>>) offsets(%dma_start3A_1155 : memref<128xi32, #tpu.memory_space<vmem>>) semaphore(%dma_start3A_1160 : memref<!tpu.dma_semaphore, #tpu.memory_space<semaphore_mem>>)
    }
    %scan3A_190 = arith.constant 24 : i32
    %dma_wait3A_191 = arith.constant 194 : i32
    %dma_wait3A_192 = arith.constant 2 : i32
    %dma_wait3A_193 = arith.constant 2 : i32
    %dma_wait3A_194 = arith.constant 0 : i32
    %dma_wait3A_195 = arith.constant 0 : i32
    %dma_wait3A_196 = tpu.memref_slice %arg6[%dma_wait3A_192, %dma_wait3A_194, %dma_wait3A_195] : memref<8x128x64xf32, #tpu.memory_space<vmem>> -> memref<1x128x64xf32, #tpu.memory_space<vmem>>
    %dma_wait3A_197 = tpu.memref_squeeze %dma_wait3A_196 : memref<1x128x64xf32, #tpu.memory_space<vmem>> -> memref<128x64xf32, #tpu.memory_space<vmem>>
    %dma_wait3A_198 = arith.constant 0 : i32
    %dma_wait3A_199 = tpu.memref_slice %arg5[%dma_wait3A_191, %dma_wait3A_198] : memref<200x128xi32, #tpu.memory_space<vmem>> -> memref<1x128xi32, #tpu.memory_space<vmem>>
    %dma_wait3A_200 = tpu.memref_squeeze %dma_wait3A_199 : memref<1x128xi32, #tpu.memory_space<vmem>> -> memref<128xi32, #tpu.memory_space<vmem>>
    %dma_wait3A_201 = arith.constant 0 : i32
    %dma_wait3A_202 = arith.constant 0 : i32
    %dma_wait3A_203 = tpu.memref_slice %arg3[%dma_wait3A_201, %dma_wait3A_202] : memref<1000000x64xf32, #tpu.memory_space<hbm>> -> memref<1000000x64xf32, #tpu.memory_space<hbm>>
    %dma_wait3A_204 = tpu.memref_slice %arg7[%dma_wait3A_193] : memref<8x!tpu.dma_semaphore, #tpu.memory_space<semaphore_mem>> -> memref<1x!tpu.dma_semaphore, #tpu.memory_space<semaphore_mem>>
    %dma_wait3A_205 = tpu.memref_squeeze %dma_wait3A_204 : memref<1x!tpu.dma_semaphore, #tpu.memory_space<semaphore_mem>> -> memref<!tpu.dma_semaphore, #tpu.memory_space<semaphore_mem>>
    tpu.wait_indirect_dma semaphore(%dma_wait3A_205 : memref<!tpu.dma_semaphore, #tpu.memory_space<semaphore_mem>>) src(%dma_wait3A_203 : memref<1000000x64xf32, #tpu.memory_space<hbm>>) dst(%dma_wait3A_197 : memref<128x64xf32, #tpu.memory_space<vmem>>)
    %add3A_206 = arith.constant 24832 : i32
    %add3A_207 = arith.addi %mul3A_2, %add3A_206 : i32
    %dma_start3A_208 = arith.constant 2 : i32
    %dma_start3A_209 = arith.constant 2 : i32
    %dma_start3A_210 = arith.constant 0 : i32
    %dma_start3A_211 = arith.constant 0 : i32
    %dma_start3A_212 = tpu.memref_slice %arg6[%dma_start3A_208, %dma_start3A_210, %dma_start3A_211] : memref<8x128x64xf32, #tpu.memory_space<vmem>> -> memref<1x128x64xf32, #tpu.memory_space<vmem>>
    %dma_start3A_213 = tpu.memref_squeeze %dma_start3A_212 : memref<1x128x64xf32, #tpu.memory_space<vmem>> -> memref<128x64xf32, #tpu.memory_space<vmem>>
    %dma_start3A_214 = arith.constant 0 : i32
    %dma_start3A_215 = tpu.memref_slice %arg4[%add3A_207, %dma_start3A_214] : memref<819200x64xf32, #tpu.memory_space<hbm>> -> memref<128x64xf32, #tpu.memory_space<hbm>>
    %dma_start3A_216 = tpu.memref_slice %arg8[%dma_start3A_209] : memref<8x!tpu.dma_semaphore, #tpu.memory_space<semaphore_mem>> -> memref<1x!tpu.dma_semaphore, #tpu.memory_space<semaphore_mem>>
    %dma_start3A_217 = tpu.memref_squeeze %dma_start3A_216 : memref<1x!tpu.dma_semaphore, #tpu.memory_space<semaphore_mem>> -> memref<!tpu.dma_semaphore, #tpu.memory_space<semaphore_mem>>
    %dma_start3A_218 = arith.constant 0 : i32
    %dma_start3A_219 = tpu.memref_slice %arg4[%add3A_207, %dma_start3A_218] : memref<819200x64xf32, #tpu.memory_space<hbm>> -> memref<128x64xf32, #tpu.memory_space<hbm>>
    %dma_start3A_220 = arith.constant 0 : i32
    %dma_start3A_221 = arith.constant 0 : i32
    %dma_start3A_222 = tpu.memref_slice %arg6[%dma_start3A_208, %dma_start3A_220, %dma_start3A_221] : memref<8x128x64xf32, #tpu.memory_space<vmem>> -> memref<1x128x64xf32, #tpu.memory_space<vmem>>
    %dma_start3A_223 = tpu.memref_squeeze %dma_start3A_222 : memref<1x128x64xf32, #tpu.memory_space<vmem>> -> memref<128x64xf32, #tpu.memory_space<vmem>>
    tpu.enqueue_dma source(%dma_start3A_223 : memref<128x64xf32, #tpu.memory_space<vmem>>) target(%dma_start3A_219 : memref<128x64xf32, #tpu.memory_space<hbm>>) target_semaphore(%dma_start3A_217 : memref<!tpu.dma_semaphore, #tpu.memory_space<semaphore_mem>>)
    %dma_wait3A_224 = arith.constant 195 : i32
    %dma_wait3A_225 = arith.constant 3 : i32
    %dma_wait3A_226 = arith.constant 3 : i32
    %dma_wait3A_227 = arith.constant 0 : i32
    %dma_wait3A_228 = arith.constant 0 : i32
    %dma_wait3A_229 = tpu.memref_slice %arg6[%dma_wait3A_225, %dma_wait3A_227, %dma_wait3A_228] : memref<8x128x64xf32, #tpu.memory_space<vmem>> -> memref<1x128x64xf32, #tpu.memory_space<vmem>>
    %dma_wait3A_230 = tpu.memref_squeeze %dma_wait3A_229 : memref<1x128x64xf32, #tpu.memory_space<vmem>> -> memref<128x64xf32, #tpu.memory_space<vmem>>
    %dma_wait3A_231 = arith.constant 0 : i32
    %dma_wait3A_232 = tpu.memref_slice %arg5[%dma_wait3A_224, %dma_wait3A_231] : memref<200x128xi32, #tpu.memory_space<vmem>> -> memref<1x128xi32, #tpu.memory_space<vmem>>
    %dma_wait3A_233 = tpu.memref_squeeze %dma_wait3A_232 : memref<1x128xi32, #tpu.memory_space<vmem>> -> memref<128xi32, #tpu.memory_space<vmem>>
    %dma_wait3A_234 = arith.constant 0 : i32
    %dma_wait3A_235 = arith.constant 0 : i32
    %dma_wait3A_236 = tpu.memref_slice %arg3[%dma_wait3A_234, %dma_wait3A_235] : memref<1000000x64xf32, #tpu.memory_space<hbm>> -> memref<1000000x64xf32, #tpu.memory_space<hbm>>
    %dma_wait3A_237 = tpu.memref_slice %arg7[%dma_wait3A_226] : memref<8x!tpu.dma_semaphore, #tpu.memory_space<semaphore_mem>> -> memref<1x!tpu.dma_semaphore, #tpu.memory_space<semaphore_mem>>
    %dma_wait3A_238 = tpu.memref_squeeze %dma_wait3A_237 : memref<1x!tpu.dma_semaphore, #tpu.memory_space<semaphore_mem>> -> memref<!tpu.dma_semaphore, #tpu.memory_space<semaphore_mem>>
    tpu.wait_indirect_dma semaphore(%dma_wait3A_238 : memref<!tpu.dma_semaphore, #tpu.memory_space<semaphore_mem>>) src(%dma_wait3A_236 : memref<1000000x64xf32, #tpu.memory_space<hbm>>) dst(%dma_wait3A_230 : memref<128x64xf32, #tpu.memory_space<vmem>>)
    %add3A_239 = arith.constant 24960 : i32
    %add3A_240 = arith.addi %mul3A_2, %add3A_239 : i32
    %dma_start3A_241 = arith.constant 3 : i32
    %dma_start3A_242 = arith.constant 3 : i32
    %dma_start3A_243 = arith.constant 0 : i32
    %dma_start3A_244 = arith.constant 0 : i32
    %dma_start3A_245 = tpu.memref_slice %arg6[%dma_start3A_241, %dma_start3A_243, %dma_start3A_244] : memref<8x128x64xf32, #tpu.memory_space<vmem>> -> memref<1x128x64xf32, #tpu.memory_space<vmem>>
    %dma_start3A_246 = tpu.memref_squeeze %dma_start3A_245 : memref<1x128x64xf32, #tpu.memory_space<vmem>> -> memref<128x64xf32, #tpu.memory_space<vmem>>
    %dma_start3A_247 = arith.constant 0 : i32
    %dma_start3A_248 = tpu.memref_slice %arg4[%add3A_240, %dma_start3A_247] : memref<819200x64xf32, #tpu.memory_space<hbm>> -> memref<128x64xf32, #tpu.memory_space<hbm>>
    %dma_start3A_249 = tpu.memref_slice %arg8[%dma_start3A_242] : memref<8x!tpu.dma_semaphore, #tpu.memory_space<semaphore_mem>> -> memref<1x!tpu.dma_semaphore, #tpu.memory_space<semaphore_mem>>
    %dma_start3A_250 = tpu.memref_squeeze %dma_start3A_249 : memref<1x!tpu.dma_semaphore, #tpu.memory_space<semaphore_mem>> -> memref<!tpu.dma_semaphore, #tpu.memory_space<semaphore_mem>>
    %dma_start3A_251 = arith.constant 0 : i32
    %dma_start3A_252 = tpu.memref_slice %arg4[%add3A_240, %dma_start3A_251] : memref<819200x64xf32, #tpu.memory_space<hbm>> -> memref<128x64xf32, #tpu.memory_space<hbm>>
    %dma_start3A_253 = arith.constant 0 : i32
    %dma_start3A_254 = arith.constant 0 : i32
    %dma_start3A_255 = tpu.memref_slice %arg6[%dma_start3A_241, %dma_start3A_253, %dma_start3A_254] : memref<8x128x64xf32, #tpu.memory_space<vmem>> -> memref<1x128x64xf32, #tpu.memory_space<vmem>>
    %dma_start3A_256 = tpu.memref_squeeze %dma_start3A_255 : memref<1x128x64xf32, #tpu.memory_space<vmem>> -> memref<128x64xf32, #tpu.memory_space<vmem>>
    tpu.enqueue_dma source(%dma_start3A_256 : memref<128x64xf32, #tpu.memory_space<vmem>>) target(%dma_start3A_252 : memref<128x64xf32, #tpu.memory_space<hbm>>) target_semaphore(%dma_start3A_250 : memref<!tpu.dma_semaphore, #tpu.memory_space<semaphore_mem>>)
    %dma_wait3A_257 = arith.constant 196 : i32
    %dma_wait3A_258 = arith.constant 4 : i32
    %dma_wait3A_259 = arith.constant 4 : i32
    %dma_wait3A_260 = arith.constant 0 : i32
    %dma_wait3A_261 = arith.constant 0 : i32
    %dma_wait3A_262 = tpu.memref_slice %arg6[%dma_wait3A_258, %dma_wait3A_260, %dma_wait3A_261] : memref<8x128x64xf32, #tpu.memory_space<vmem>> -> memref<1x128x64xf32, #tpu.memory_space<vmem>>
    %dma_wait3A_263 = tpu.memref_squeeze %dma_wait3A_262 : memref<1x128x64xf32, #tpu.memory_space<vmem>> -> memref<128x64xf32, #tpu.memory_space<vmem>>
    %dma_wait3A_264 = arith.constant 0 : i32
    %dma_wait3A_265 = tpu.memref_slice %arg5[%dma_wait3A_257, %dma_wait3A_264] : memref<200x128xi32, #tpu.memory_space<vmem>> -> memref<1x128xi32, #tpu.memory_space<vmem>>
    %dma_wait3A_266 = tpu.memref_squeeze %dma_wait3A_265 : memref<1x128xi32, #tpu.memory_space<vmem>> -> memref<128xi32, #tpu.memory_space<vmem>>
    %dma_wait3A_267 = arith.constant 0 : i32
    %dma_wait3A_268 = arith.constant 0 : i32
    %dma_wait3A_269 = tpu.memref_slice %arg3[%dma_wait3A_267, %dma_wait3A_268] : memref<1000000x64xf32, #tpu.memory_space<hbm>> -> memref<1000000x64xf32, #tpu.memory_space<hbm>>
    %dma_wait3A_270 = tpu.memref_slice %arg7[%dma_wait3A_259] : memref<8x!tpu.dma_semaphore, #tpu.memory_space<semaphore_mem>> -> memref<1x!tpu.dma_semaphore, #tpu.memory_space<semaphore_mem>>
    %dma_wait3A_271 = tpu.memref_squeeze %dma_wait3A_270 : memref<1x!tpu.dma_semaphore, #tpu.memory_space<semaphore_mem>> -> memref<!tpu.dma_semaphore, #tpu.memory_space<semaphore_mem>>
    tpu.wait_indirect_dma semaphore(%dma_wait3A_271 : memref<!tpu.dma_semaphore, #tpu.memory_space<semaphore_mem>>) src(%dma_wait3A_269 : memref<1000000x64xf32, #tpu.memory_space<hbm>>) dst(%dma_wait3A_263 : memref<128x64xf32, #tpu.memory_space<vmem>>)
    %add3A_272 = arith.constant 25088 : i32
    %add3A_273 = arith.addi %mul3A_2, %add3A_272 : i32
    %dma_start3A_274 = arith.constant 4 : i32
    %dma_start3A_275 = arith.constant 4 : i32
    %dma_start3A_276 = arith.constant 0 : i32
    %dma_start3A_277 = arith.constant 0 : i32
    %dma_start3A_278 = tpu.memref_slice %arg6[%dma_start3A_274, %dma_start3A_276, %dma_start3A_277] : memref<8x128x64xf32, #tpu.memory_space<vmem>> -> memref<1x128x64xf32, #tpu.memory_space<vmem>>
    %dma_start3A_279 = tpu.memref_squeeze %dma_start3A_278 : memref<1x128x64xf32, #tpu.memory_space<vmem>> -> memref<128x64xf32, #tpu.memory_space<vmem>>
    %dma_start3A_280 = arith.constant 0 : i32
    %dma_start3A_281 = tpu.memref_slice %arg4[%add3A_273, %dma_start3A_280] : memref<819200x64xf32, #tpu.memory_space<hbm>> -> memref<128x64xf32, #tpu.memory_space<hbm>>
    %dma_start3A_282 = tpu.memref_slice %arg8[%dma_start3A_275] : memref<8x!tpu.dma_semaphore, #tpu.memory_space<semaphore_mem>> -> memref<1x!tpu.dma_semaphore, #tpu.memory_space<semaphore_mem>>
    %dma_start3A_283 = tpu.memref_squeeze %dma_start3A_282 : memref<1x!tpu.dma_semaphore, #tpu.memory_space<semaphore_mem>> -> memref<!tpu.dma_semaphore, #tpu.memory_space<semaphore_mem>>
    %dma_start3A_284 = arith.constant 0 : i32
    %dma_start3A_285 = tpu.memref_slice %arg4[%add3A_273, %dma_start3A_284] : memref<819200x64xf32, #tpu.memory_space<hbm>> -> memref<128x64xf32, #tpu.memory_space<hbm>>
    %dma_start3A_286 = arith.constant 0 : i32
    %dma_start3A_287 = arith.constant 0 : i32
    %dma_start3A_288 = tpu.memref_slice %arg6[%dma_start3A_274, %dma_start3A_286, %dma_start3A_287] : memref<8x128x64xf32, #tpu.memory_space<vmem>> -> memref<1x128x64xf32, #tpu.memory_space<vmem>>
    %dma_start3A_289 = tpu.memref_squeeze %dma_start3A_288 : memref<1x128x64xf32, #tpu.memory_space<vmem>> -> memref<128x64xf32, #tpu.memory_space<vmem>>
    tpu.enqueue_dma source(%dma_start3A_289 : memref<128x64xf32, #tpu.memory_space<vmem>>) target(%dma_start3A_285 : memref<128x64xf32, #tpu.memory_space<hbm>>) target_semaphore(%dma_start3A_283 : memref<!tpu.dma_semaphore, #tpu.memory_space<semaphore_mem>>)
    %dma_wait3A_290 = arith.constant 197 : i32
    %dma_wait3A_291 = arith.constant 5 : i32
    %dma_wait3A_292 = arith.constant 5 : i32
    %dma_wait3A_293 = arith.constant 0 : i32
    %dma_wait3A_294 = arith.constant 0 : i32
    %dma_wait3A_295 = tpu.memref_slice %arg6[%dma_wait3A_291, %dma_wait3A_293, %dma_wait3A_294] : memref<8x128x64xf32, #tpu.memory_space<vmem>> -> memref<1x128x64xf32, #tpu.memory_space<vmem>>
    %dma_wait3A_296 = tpu.memref_squeeze %dma_wait3A_295 : memref<1x128x64xf32, #tpu.memory_space<vmem>> -> memref<128x64xf32, #tpu.memory_space<vmem>>
    %dma_wait3A_297 = arith.constant 0 : i32
    %dma_wait3A_298 = tpu.memref_slice %arg5[%dma_wait3A_290, %dma_wait3A_297] : memref<200x128xi32, #tpu.memory_space<vmem>> -> memref<1x128xi32, #tpu.memory_space<vmem>>
    %dma_wait3A_299 = tpu.memref_squeeze %dma_wait3A_298 : memref<1x128xi32, #tpu.memory_space<vmem>> -> memref<128xi32, #tpu.memory_space<vmem>>
    %dma_wait3A_300 = arith.constant 0 : i32
    %dma_wait3A_301 = arith.constant 0 : i32
    %dma_wait3A_302 = tpu.memref_slice %arg3[%dma_wait3A_300, %dma_wait3A_301] : memref<1000000x64xf32, #tpu.memory_space<hbm>> -> memref<1000000x64xf32, #tpu.memory_space<hbm>>
    %dma_wait3A_303 = tpu.memref_slice %arg7[%dma_wait3A_292] : memref<8x!tpu.dma_semaphore, #tpu.memory_space<semaphore_mem>> -> memref<1x!tpu.dma_semaphore, #tpu.memory_space<semaphore_mem>>
    %dma_wait3A_304 = tpu.memref_squeeze %dma_wait3A_303 : memref<1x!tpu.dma_semaphore, #tpu.memory_space<semaphore_mem>> -> memref<!tpu.dma_semaphore, #tpu.memory_space<semaphore_mem>>
    tpu.wait_indirect_dma semaphore(%dma_wait3A_304 : memref<!tpu.dma_semaphore, #tpu.memory_space<semaphore_mem>>) src(%dma_wait3A_302 : memref<1000000x64xf32, #tpu.memory_space<hbm>>) dst(%dma_wait3A_296 : memref<128x64xf32, #tpu.memory_space<vmem>>)
    %add3A_305 = arith.constant 25216 : i32
    %add3A_306 = arith.addi %mul3A_2, %add3A_305 : i32
    %dma_start3A_307 = arith.constant 5 : i32
    %dma_start3A_308 = arith.constant 5 : i32
    %dma_start3A_309 = arith.constant 0 : i32
    %dma_start3A_310 = arith.constant 0 : i32
    %dma_start3A_311 = tpu.memref_slice %arg6[%dma_start3A_307, %dma_start3A_309, %dma_start3A_310] : memref<8x128x64xf32, #tpu.memory_space<vmem>> -> memref<1x128x64xf32, #tpu.memory_space<vmem>>
    %dma_start3A_312 = tpu.memref_squeeze %dma_start3A_311 : memref<1x128x64xf32, #tpu.memory_space<vmem>> -> memref<128x64xf32, #tpu.memory_space<vmem>>
    %dma_start3A_313 = arith.constant 0 : i32
    %dma_start3A_314 = tpu.memref_slice %arg4[%add3A_306, %dma_start3A_313] : memref<819200x64xf32, #tpu.memory_space<hbm>> -> memref<128x64xf32, #tpu.memory_space<hbm>>
    %dma_start3A_315 = tpu.memref_slice %arg8[%dma_start3A_308] : memref<8x!tpu.dma_semaphore, #tpu.memory_space<semaphore_mem>> -> memref<1x!tpu.dma_semaphore, #tpu.memory_space<semaphore_mem>>
    %dma_start3A_316 = tpu.memref_squeeze %dma_start3A_315 : memref<1x!tpu.dma_semaphore, #tpu.memory_space<semaphore_mem>> -> memref<!tpu.dma_semaphore, #tpu.memory_space<semaphore_mem>>
    %dma_start3A_317 = arith.constant 0 : i32
    %dma_start3A_318 = tpu.memref_slice %arg4[%add3A_306, %dma_start3A_317] : memref<819200x64xf32, #tpu.memory_space<hbm>> -> memref<128x64xf32, #tpu.memory_space<hbm>>
    %dma_start3A_319 = arith.constant 0 : i32
    %dma_start3A_320 = arith.constant 0 : i32
    %dma_start3A_321 = tpu.memref_slice %arg6[%dma_start3A_307, %dma_start3A_319, %dma_start3A_320] : memref<8x128x64xf32, #tpu.memory_space<vmem>> -> memref<1x128x64xf32, #tpu.memory_space<vmem>>
    %dma_start3A_322 = tpu.memref_squeeze %dma_start3A_321 : memref<1x128x64xf32, #tpu.memory_space<vmem>> -> memref<128x64xf32, #tpu.memory_space<vmem>>
    tpu.enqueue_dma source(%dma_start3A_322 : memref<128x64xf32, #tpu.memory_space<vmem>>) target(%dma_start3A_318 : memref<128x64xf32, #tpu.memory_space<hbm>>) target_semaphore(%dma_start3A_316 : memref<!tpu.dma_semaphore, #tpu.memory_space<semaphore_mem>>)
    %dma_wait3A_323 = arith.constant 198 : i32
    %dma_wait3A_324 = arith.constant 6 : i32
    %dma_wait3A_325 = arith.constant 6 : i32
    %dma_wait3A_326 = arith.constant 0 : i32
    %dma_wait3A_327 = arith.constant 0 : i32
    %dma_wait3A_328 = tpu.memref_slice %arg6[%dma_wait3A_324, %dma_wait3A_326, %dma_wait3A_327] : memref<8x128x64xf32, #tpu.memory_space<vmem>> -> memref<1x128x64xf32, #tpu.memory_space<vmem>>
    %dma_wait3A_329 = tpu.memref_squeeze %dma_wait3A_328 : memref<1x128x64xf32, #tpu.memory_space<vmem>> -> memref<128x64xf32, #tpu.memory_space<vmem>>
    %dma_wait3A_330 = arith.constant 0 : i32
    %dma_wait3A_331 = tpu.memref_slice %arg5[%dma_wait3A_323, %dma_wait3A_330] : memref<200x128xi32, #tpu.memory_space<vmem>> -> memref<1x128xi32, #tpu.memory_space<vmem>>
    %dma_wait3A_332 = tpu.memref_squeeze %dma_wait3A_331 : memref<1x128xi32, #tpu.memory_space<vmem>> -> memref<128xi32, #tpu.memory_space<vmem>>
    %dma_wait3A_333 = arith.constant 0 : i32
    %dma_wait3A_334 = arith.constant 0 : i32
    %dma_wait3A_335 = tpu.memref_slice %arg3[%dma_wait3A_333, %dma_wait3A_334] : memref<1000000x64xf32, #tpu.memory_space<hbm>> -> memref<1000000x64xf32, #tpu.memory_space<hbm>>
    %dma_wait3A_336 = tpu.memref_slice %arg7[%dma_wait3A_325] : memref<8x!tpu.dma_semaphore, #tpu.memory_space<semaphore_mem>> -> memref<1x!tpu.dma_semaphore, #tpu.memory_space<semaphore_mem>>
    %dma_wait3A_337 = tpu.memref_squeeze %dma_wait3A_336 : memref<1x!tpu.dma_semaphore, #tpu.memory_space<semaphore_mem>> -> memref<!tpu.dma_semaphore, #tpu.memory_space<semaphore_mem>>
    tpu.wait_indirect_dma semaphore(%dma_wait3A_337 : memref<!tpu.dma_semaphore, #tpu.memory_space<semaphore_mem>>) src(%dma_wait3A_335 : memref<1000000x64xf32, #tpu.memory_space<hbm>>) dst(%dma_wait3A_329 : memref<128x64xf32, #tpu.memory_space<vmem>>)
    %add3A_338 = arith.constant 25344 : i32
    %add3A_339 = arith.addi %mul3A_2, %add3A_338 : i32
    %dma_start3A_340 = arith.constant 6 : i32
    %dma_start3A_341 = arith.constant 6 : i32
    %dma_start3A_342 = arith.constant 0 : i32
    %dma_start3A_343 = arith.constant 0 : i32
    %dma_start3A_344 = tpu.memref_slice %arg6[%dma_start3A_340, %dma_start3A_342, %dma_start3A_343] : memref<8x128x64xf32, #tpu.memory_space<vmem>> -> memref<1x128x64xf32, #tpu.memory_space<vmem>>
    %dma_start3A_345 = tpu.memref_squeeze %dma_start3A_344 : memref<1x128x64xf32, #tpu.memory_space<vmem>> -> memref<128x64xf32, #tpu.memory_space<vmem>>
    %dma_start3A_346 = arith.constant 0 : i32
    %dma_start3A_347 = tpu.memref_slice %arg4[%add3A_339, %dma_start3A_346] : memref<819200x64xf32, #tpu.memory_space<hbm>> -> memref<128x64xf32, #tpu.memory_space<hbm>>
    %dma_start3A_348 = tpu.memref_slice %arg8[%dma_start3A_341] : memref<8x!tpu.dma_semaphore, #tpu.memory_space<semaphore_mem>> -> memref<1x!tpu.dma_semaphore, #tpu.memory_space<semaphore_mem>>
    %dma_start3A_349 = tpu.memref_squeeze %dma_start3A_348 : memref<1x!tpu.dma_semaphore, #tpu.memory_space<semaphore_mem>> -> memref<!tpu.dma_semaphore, #tpu.memory_space<semaphore_mem>>
    %dma_start3A_350 = arith.constant 0 : i32
    %dma_start3A_351 = tpu.memref_slice %arg4[%add3A_339, %dma_start3A_350] : memref<819200x64xf32, #tpu.memory_space<hbm>> -> memref<128x64xf32, #tpu.memory_space<hbm>>
    %dma_start3A_352 = arith.constant 0 : i32
    %dma_start3A_353 = arith.constant 0 : i32
    %dma_start3A_354 = tpu.memref_slice %arg6[%dma_start3A_340, %dma_start3A_352, %dma_start3A_353] : memref<8x128x64xf32, #tpu.memory_space<vmem>> -> memref<1x128x64xf32, #tpu.memory_space<vmem>>
    %dma_start3A_355 = tpu.memref_squeeze %dma_start3A_354 : memref<1x128x64xf32, #tpu.memory_space<vmem>> -> memref<128x64xf32, #tpu.memory_space<vmem>>
    tpu.enqueue_dma source(%dma_start3A_355 : memref<128x64xf32, #tpu.memory_space<vmem>>) target(%dma_start3A_351 : memref<128x64xf32, #tpu.memory_space<hbm>>) target_semaphore(%dma_start3A_349 : memref<!tpu.dma_semaphore, #tpu.memory_space<semaphore_mem>>)
    %dma_wait3A_356 = arith.constant 199 : i32
    %dma_wait3A_357 = arith.constant 7 : i32
    %dma_wait3A_358 = arith.constant 7 : i32
    %dma_wait3A_359 = arith.constant 0 : i32
    %dma_wait3A_360 = arith.constant 0 : i32
    %dma_wait3A_361 = tpu.memref_slice %arg6[%dma_wait3A_357, %dma_wait3A_359, %dma_wait3A_360] : memref<8x128x64xf32, #tpu.memory_space<vmem>> -> memref<1x128x64xf32, #tpu.memory_space<vmem>>
    %dma_wait3A_362 = tpu.memref_squeeze %dma_wait3A_361 : memref<1x128x64xf32, #tpu.memory_space<vmem>> -> memref<128x64xf32, #tpu.memory_space<vmem>>
    %dma_wait3A_363 = arith.constant 0 : i32
    %dma_wait3A_364 = tpu.memref_slice %arg5[%dma_wait3A_356, %dma_wait3A_363] : memref<200x128xi32, #tpu.memory_space<vmem>> -> memref<1x128xi32, #tpu.memory_space<vmem>>
    %dma_wait3A_365 = tpu.memref_squeeze %dma_wait3A_364 : memref<1x128xi32, #tpu.memory_space<vmem>> -> memref<128xi32, #tpu.memory_space<vmem>>
    %dma_wait3A_366 = arith.constant 0 : i32
    %dma_wait3A_367 = arith.constant 0 : i32
    %dma_wait3A_368 = tpu.memref_slice %arg3[%dma_wait3A_366, %dma_wait3A_367] : memref<1000000x64xf32, #tpu.memory_space<hbm>> -> memref<1000000x64xf32, #tpu.memory_space<hbm>>
    %dma_wait3A_369 = tpu.memref_slice %arg7[%dma_wait3A_358] : memref<8x!tpu.dma_semaphore, #tpu.memory_space<semaphore_mem>> -> memref<1x!tpu.dma_semaphore, #tpu.memory_space<semaphore_mem>>
    %dma_wait3A_370 = tpu.memref_squeeze %dma_wait3A_369 : memref<1x!tpu.dma_semaphore, #tpu.memory_space<semaphore_mem>> -> memref<!tpu.dma_semaphore, #tpu.memory_space<semaphore_mem>>
    tpu.wait_indirect_dma semaphore(%dma_wait3A_370 : memref<!tpu.dma_semaphore, #tpu.memory_space<semaphore_mem>>) src(%dma_wait3A_368 : memref<1000000x64xf32, #tpu.memory_space<hbm>>) dst(%dma_wait3A_362 : memref<128x64xf32, #tpu.memory_space<vmem>>)
    %add3A_371 = arith.constant 25472 : i32
    %add3A_372 = arith.addi %mul3A_2, %add3A_371 : i32
    %dma_start3A_373 = arith.constant 7 : i32
    %dma_start3A_374 = arith.constant 7 : i32
    %dma_start3A_375 = arith.constant 0 : i32
    %dma_start3A_376 = arith.constant 0 : i32
    %dma_start3A_377 = tpu.memref_slice %arg6[%dma_start3A_373, %dma_start3A_375, %dma_start3A_376] : memref<8x128x64xf32, #tpu.memory_space<vmem>> -> memref<1x128x64xf32, #tpu.memory_space<vmem>>
    %dma_start3A_378 = tpu.memref_squeeze %dma_start3A_377 : memref<1x128x64xf32, #tpu.memory_space<vmem>> -> memref<128x64xf32, #tpu.memory_space<vmem>>
    %dma_start3A_379 = arith.constant 0 : i32
    %dma_start3A_380 = tpu.memref_slice %arg4[%add3A_372, %dma_start3A_379] : memref<819200x64xf32, #tpu.memory_space<hbm>> -> memref<128x64xf32, #tpu.memory_space<hbm>>
    %dma_start3A_381 = tpu.memref_slice %arg8[%dma_start3A_374] : memref<8x!tpu.dma_semaphore, #tpu.memory_space<semaphore_mem>> -> memref<1x!tpu.dma_semaphore, #tpu.memory_space<semaphore_mem>>
    %dma_start3A_382 = tpu.memref_squeeze %dma_start3A_381 : memref<1x!tpu.dma_semaphore, #tpu.memory_space<semaphore_mem>> -> memref<!tpu.dma_semaphore, #tpu.memory_space<semaphore_mem>>
    %dma_start3A_383 = arith.constant 0 : i32
    %dma_start3A_384 = tpu.memref_slice %arg4[%add3A_372, %dma_start3A_383] : memref<819200x64xf32, #tpu.memory_space<hbm>> -> memref<128x64xf32, #tpu.memory_space<hbm>>
    %dma_start3A_385 = arith.constant 0 : i32
    %dma_start3A_386 = arith.constant 0 : i32
    %dma_start3A_387 = tpu.memref_slice %arg6[%dma_start3A_373, %dma_start3A_385, %dma_start3A_386] : memref<8x128x64xf32, #tpu.memory_space<vmem>> -> memref<1x128x64xf32, #tpu.memory_space<vmem>>
    %dma_start3A_388 = tpu.memref_squeeze %dma_start3A_387 : memref<1x128x64xf32, #tpu.memory_space<vmem>> -> memref<128x64xf32, #tpu.memory_space<vmem>>
    tpu.enqueue_dma source(%dma_start3A_388 : memref<128x64xf32, #tpu.memory_space<vmem>>) target(%dma_start3A_384 : memref<128x64xf32, #tpu.memory_space<hbm>>) target_semaphore(%dma_start3A_382 : memref<!tpu.dma_semaphore, #tpu.memory_space<semaphore_mem>>)
    %add3A_389 = arith.constant 24576 : i32
    %add3A_390 = arith.addi %mul3A_2, %add3A_389 : i32
    %dma_wait3A_391 = arith.constant 0 : i32
    %dma_wait3A_392 = arith.constant 0 : i32
    %dma_wait3A_393 = arith.constant 0 : i32
    %dma_wait3A_394 = arith.constant 0 : i32
    %dma_wait3A_395 = tpu.memref_slice %arg6[%dma_wait3A_391, %dma_wait3A_393, %dma_wait3A_394] : memref<8x128x64xf32, #tpu.memory_space<vmem>> -> memref<1x128x64xf32, #tpu.memory_space<vmem>>
    %dma_wait3A_396 = tpu.memref_squeeze %dma_wait3A_395 : memref<1x128x64xf32, #tpu.memory_space<vmem>> -> memref<128x64xf32, #tpu.memory_space<vmem>>
    %dma_wait3A_397 = arith.constant 0 : i32
    %dma_wait3A_398 = tpu.memref_slice %arg4[%add3A_390, %dma_wait3A_397] : memref<819200x64xf32, #tpu.memory_space<hbm>> -> memref<128x64xf32, #tpu.memory_space<hbm>>
    %dma_wait3A_399 = tpu.memref_slice %arg8[%dma_wait3A_392] : memref<8x!tpu.dma_semaphore, #tpu.memory_space<semaphore_mem>> -> memref<1x!tpu.dma_semaphore, #tpu.memory_space<semaphore_mem>>
    %dma_wait3A_400 = tpu.memref_squeeze %dma_wait3A_399 : memref<1x!tpu.dma_semaphore, #tpu.memory_space<semaphore_mem>> -> memref<!tpu.dma_semaphore, #tpu.memory_space<semaphore_mem>>
    %dma_wait3A_401 = arith.constant 0 : i32
    %dma_wait3A_402 = tpu.memref_slice %arg4[%add3A_390, %dma_wait3A_401] : memref<819200x64xf32, #tpu.memory_space<hbm>> -> memref<128x64xf32, #tpu.memory_space<hbm>>
    %dma_wait3A_403 = arith.constant 0 : i32
    %dma_wait3A_404 = arith.constant 0 : i32
    %dma_wait3A_405 = tpu.memref_slice %arg6[%dma_wait3A_391, %dma_wait3A_403, %dma_wait3A_404] : memref<8x128x64xf32, #tpu.memory_space<vmem>> -> memref<1x128x64xf32, #tpu.memory_space<vmem>>
    %dma_wait3A_406 = tpu.memref_squeeze %dma_wait3A_405 : memref<1x128x64xf32, #tpu.memory_space<vmem>> -> memref<128x64xf32, #tpu.memory_space<vmem>>
    tpu.wait_dma2 semaphore(%dma_wait3A_400 : memref<!tpu.dma_semaphore, #tpu.memory_space<semaphore_mem>>) src(%dma_wait3A_406 : memref<128x64xf32, #tpu.memory_space<vmem>>) dst(%dma_wait3A_402 : memref<128x64xf32, #tpu.memory_space<hbm>>)
    %add3A_407 = arith.constant 24704 : i32
    %add3A_408 = arith.addi %mul3A_2, %add3A_407 : i32
    %dma_wait3A_409 = arith.constant 1 : i32
    %dma_wait3A_410 = arith.constant 1 : i32
    %dma_wait3A_411 = arith.constant 0 : i32
    %dma_wait3A_412 = arith.constant 0 : i32
    %dma_wait3A_413 = tpu.memref_slice %arg6[%dma_wait3A_409, %dma_wait3A_411, %dma_wait3A_412] : memref<8x128x64xf32, #tpu.memory_space<vmem>> -> memref<1x128x64xf32, #tpu.memory_space<vmem>>
    %dma_wait3A_414 = tpu.memref_squeeze %dma_wait3A_413 : memref<1x128x64xf32, #tpu.memory_space<vmem>> -> memref<128x64xf32, #tpu.memory_space<vmem>>
    %dma_wait3A_415 = arith.constant 0 : i32
    %dma_wait3A_416 = tpu.memref_slice %arg4[%add3A_408, %dma_wait3A_415] : memref<819200x64xf32, #tpu.memory_space<hbm>> -> memref<128x64xf32, #tpu.memory_space<hbm>>
    %dma_wait3A_417 = tpu.memref_slice %arg8[%dma_wait3A_410] : memref<8x!tpu.dma_semaphore, #tpu.memory_space<semaphore_mem>> -> memref<1x!tpu.dma_semaphore, #tpu.memory_space<semaphore_mem>>
    %dma_wait3A_418 = tpu.memref_squeeze %dma_wait3A_417 : memref<1x!tpu.dma_semaphore, #tpu.memory_space<semaphore_mem>> -> memref<!tpu.dma_semaphore, #tpu.memory_space<semaphore_mem>>
    %dma_wait3A_419 = arith.constant 0 : i32
    %dma_wait3A_420 = tpu.memref_slice %arg4[%add3A_408, %dma_wait3A_419] : memref<819200x64xf32, #tpu.memory_space<hbm>> -> memref<128x64xf32, #tpu.memory_space<hbm>>
    %dma_wait3A_421 = arith.constant 0 : i32
    %dma_wait3A_422 = arith.constant 0 : i32
    %dma_wait3A_423 = tpu.memref_slice %arg6[%dma_wait3A_409, %dma_wait3A_421, %dma_wait3A_422] : memref<8x128x64xf32, #tpu.memory_space<vmem>> -> memref<1x128x64xf32, #tpu.memory_space<vmem>>
    %dma_wait3A_424 = tpu.memref_squeeze %dma_wait3A_423 : memref<1x128x64xf32, #tpu.memory_space<vmem>> -> memref<128x64xf32, #tpu.memory_space<vmem>>
    tpu.wait_dma2 semaphore(%dma_wait3A_418 : memref<!tpu.dma_semaphore, #tpu.memory_space<semaphore_mem>>) src(%dma_wait3A_424 : memref<128x64xf32, #tpu.memory_space<vmem>>) dst(%dma_wait3A_420 : memref<128x64xf32, #tpu.memory_space<hbm>>)
    %add3A_425 = arith.constant 24832 : i32
    %add3A_426 = arith.addi %mul3A_2, %add3A_425 : i32
    %dma_wait3A_427 = arith.constant 2 : i32
    %dma_wait3A_428 = arith.constant 2 : i32
    %dma_wait3A_429 = arith.constant 0 : i32
    %dma_wait3A_430 = arith.constant 0 : i32
    %dma_wait3A_431 = tpu.memref_slice %arg6[%dma_wait3A_427, %dma_wait3A_429, %dma_wait3A_430] : memref<8x128x64xf32, #tpu.memory_space<vmem>> -> memref<1x128x64xf32, #tpu.memory_space<vmem>>
    %dma_wait3A_432 = tpu.memref_squeeze %dma_wait3A_431 : memref<1x128x64xf32, #tpu.memory_space<vmem>> -> memref<128x64xf32, #tpu.memory_space<vmem>>
    %dma_wait3A_433 = arith.constant 0 : i32
    %dma_wait3A_434 = tpu.memref_slice %arg4[%add3A_426, %dma_wait3A_433] : memref<819200x64xf32, #tpu.memory_space<hbm>> -> memref<128x64xf32, #tpu.memory_space<hbm>>
    %dma_wait3A_435 = tpu.memref_slice %arg8[%dma_wait3A_428] : memref<8x!tpu.dma_semaphore, #tpu.memory_space<semaphore_mem>> -> memref<1x!tpu.dma_semaphore, #tpu.memory_space<semaphore_mem>>
    %dma_wait3A_436 = tpu.memref_squeeze %dma_wait3A_435 : memref<1x!tpu.dma_semaphore, #tpu.memory_space<semaphore_mem>> -> memref<!tpu.dma_semaphore, #tpu.memory_space<semaphore_mem>>
    %dma_wait3A_437 = arith.constant 0 : i32
    %dma_wait3A_438 = tpu.memref_slice %arg4[%add3A_426, %dma_wait3A_437] : memref<819200x64xf32, #tpu.memory_space<hbm>> -> memref<128x64xf32, #tpu.memory_space<hbm>>
    %dma_wait3A_439 = arith.constant 0 : i32
    %dma_wait3A_440 = arith.constant 0 : i32
    %dma_wait3A_441 = tpu.memref_slice %arg6[%dma_wait3A_427, %dma_wait3A_439, %dma_wait3A_440] : memref<8x128x64xf32, #tpu.memory_space<vmem>> -> memref<1x128x64xf32, #tpu.memory_space<vmem>>
    %dma_wait3A_442 = tpu.memref_squeeze %dma_wait3A_441 : memref<1x128x64xf32, #tpu.memory_space<vmem>> -> memref<128x64xf32, #tpu.memory_space<vmem>>
    tpu.wait_dma2 semaphore(%dma_wait3A_436 : memref<!tpu.dma_semaphore, #tpu.memory_space<semaphore_mem>>) src(%dma_wait3A_442 : memref<128x64xf32, #tpu.memory_space<vmem>>) dst(%dma_wait3A_438 : memref<128x64xf32, #tpu.memory_space<hbm>>)
    %add3A_443 = arith.constant 24960 : i32
    %add3A_444 = arith.addi %mul3A_2, %add3A_443 : i32
    %dma_wait3A_445 = arith.constant 3 : i32
    %dma_wait3A_446 = arith.constant 3 : i32
    %dma_wait3A_447 = arith.constant 0 : i32
    %dma_wait3A_448 = arith.constant 0 : i32
    %dma_wait3A_449 = tpu.memref_slice %arg6[%dma_wait3A_445, %dma_wait3A_447, %dma_wait3A_448] : memref<8x128x64xf32, #tpu.memory_space<vmem>> -> memref<1x128x64xf32, #tpu.memory_space<vmem>>
    %dma_wait3A_450 = tpu.memref_squeeze %dma_wait3A_449 : memref<1x128x64xf32, #tpu.memory_space<vmem>> -> memref<128x64xf32, #tpu.memory_space<vmem>>
    %dma_wait3A_451 = arith.constant 0 : i32
    %dma_wait3A_452 = tpu.memref_slice %arg4[%add3A_444, %dma_wait3A_451] : memref<819200x64xf32, #tpu.memory_space<hbm>> -> memref<128x64xf32, #tpu.memory_space<hbm>>
    %dma_wait3A_453 = tpu.memref_slice %arg8[%dma_wait3A_446] : memref<8x!tpu.dma_semaphore, #tpu.memory_space<semaphore_mem>> -> memref<1x!tpu.dma_semaphore, #tpu.memory_space<semaphore_mem>>
    %dma_wait3A_454 = tpu.memref_squeeze %dma_wait3A_453 : memref<1x!tpu.dma_semaphore, #tpu.memory_space<semaphore_mem>> -> memref<!tpu.dma_semaphore, #tpu.memory_space<semaphore_mem>>
    %dma_wait3A_455 = arith.constant 0 : i32
    %dma_wait3A_456 = tpu.memref_slice %arg4[%add3A_444, %dma_wait3A_455] : memref<819200x64xf32, #tpu.memory_space<hbm>> -> memref<128x64xf32, #tpu.memory_space<hbm>>
    %dma_wait3A_457 = arith.constant 0 : i32
    %dma_wait3A_458 = arith.constant 0 : i32
    %dma_wait3A_459 = tpu.memref_slice %arg6[%dma_wait3A_445, %dma_wait3A_457, %dma_wait3A_458] : memref<8x128x64xf32, #tpu.memory_space<vmem>> -> memref<1x128x64xf32, #tpu.memory_space<vmem>>
    %dma_wait3A_460 = tpu.memref_squeeze %dma_wait3A_459 : memref<1x128x64xf32, #tpu.memory_space<vmem>> -> memref<128x64xf32, #tpu.memory_space<vmem>>
    tpu.wait_dma2 semaphore(%dma_wait3A_454 : memref<!tpu.dma_semaphore, #tpu.memory_space<semaphore_mem>>) src(%dma_wait3A_460 : memref<128x64xf32, #tpu.memory_space<vmem>>) dst(%dma_wait3A_456 : memref<128x64xf32, #tpu.memory_space<hbm>>)
    %add3A_461 = arith.constant 25088 : i32
    %add3A_462 = arith.addi %mul3A_2, %add3A_461 : i32
    %dma_wait3A_463 = arith.constant 4 : i32
    %dma_wait3A_464 = arith.constant 4 : i32
    %dma_wait3A_465 = arith.constant 0 : i32
    %dma_wait3A_466 = arith.constant 0 : i32
    %dma_wait3A_467 = tpu.memref_slice %arg6[%dma_wait3A_463, %dma_wait3A_465, %dma_wait3A_466] : memref<8x128x64xf32, #tpu.memory_space<vmem>> -> memref<1x128x64xf32, #tpu.memory_space<vmem>>
    %dma_wait3A_468 = tpu.memref_squeeze %dma_wait3A_467 : memref<1x128x64xf32, #tpu.memory_space<vmem>> -> memref<128x64xf32, #tpu.memory_space<vmem>>
    %dma_wait3A_469 = arith.constant 0 : i32
    %dma_wait3A_470 = tpu.memref_slice %arg4[%add3A_462, %dma_wait3A_469] : memref<819200x64xf32, #tpu.memory_space<hbm>> -> memref<128x64xf32, #tpu.memory_space<hbm>>
    %dma_wait3A_471 = tpu.memref_slice %arg8[%dma_wait3A_464] : memref<8x!tpu.dma_semaphore, #tpu.memory_space<semaphore_mem>> -> memref<1x!tpu.dma_semaphore, #tpu.memory_space<semaphore_mem>>
    %dma_wait3A_472 = tpu.memref_squeeze %dma_wait3A_471 : memref<1x!tpu.dma_semaphore, #tpu.memory_space<semaphore_mem>> -> memref<!tpu.dma_semaphore, #tpu.memory_space<semaphore_mem>>
    %dma_wait3A_473 = arith.constant 0 : i32
    %dma_wait3A_474 = tpu.memref_slice %arg4[%add3A_462, %dma_wait3A_473] : memref<819200x64xf32, #tpu.memory_space<hbm>> -> memref<128x64xf32, #tpu.memory_space<hbm>>
    %dma_wait3A_475 = arith.constant 0 : i32
    %dma_wait3A_476 = arith.constant 0 : i32
    %dma_wait3A_477 = tpu.memref_slice %arg6[%dma_wait3A_463, %dma_wait3A_475, %dma_wait3A_476] : memref<8x128x64xf32, #tpu.memory_space<vmem>> -> memref<1x128x64xf32, #tpu.memory_space<vmem>>
    %dma_wait3A_478 = tpu.memref_squeeze %dma_wait3A_477 : memref<1x128x64xf32, #tpu.memory_space<vmem>> -> memref<128x64xf32, #tpu.memory_space<vmem>>
    tpu.wait_dma2 semaphore(%dma_wait3A_472 : memref<!tpu.dma_semaphore, #tpu.memory_space<semaphore_mem>>) src(%dma_wait3A_478 : memref<128x64xf32, #tpu.memory_space<vmem>>) dst(%dma_wait3A_474 : memref<128x64xf32, #tpu.memory_space<hbm>>)
    %add3A_479 = arith.constant 25216 : i32
    %add3A_480 = arith.addi %mul3A_2, %add3A_479 : i32
    %dma_wait3A_481 = arith.constant 5 : i32
    %dma_wait3A_482 = arith.constant 5 : i32
    %dma_wait3A_483 = arith.constant 0 : i32
    %dma_wait3A_484 = arith.constant 0 : i32
    %dma_wait3A_485 = tpu.memref_slice %arg6[%dma_wait3A_481, %dma_wait3A_483, %dma_wait3A_484] : memref<8x128x64xf32, #tpu.memory_space<vmem>> -> memref<1x128x64xf32, #tpu.memory_space<vmem>>
    %dma_wait3A_486 = tpu.memref_squeeze %dma_wait3A_485 : memref<1x128x64xf32, #tpu.memory_space<vmem>> -> memref<128x64xf32, #tpu.memory_space<vmem>>
    %dma_wait3A_487 = arith.constant 0 : i32
    %dma_wait3A_488 = tpu.memref_slice %arg4[%add3A_480, %dma_wait3A_487] : memref<819200x64xf32, #tpu.memory_space<hbm>> -> memref<128x64xf32, #tpu.memory_space<hbm>>
    %dma_wait3A_489 = tpu.memref_slice %arg8[%dma_wait3A_482] : memref<8x!tpu.dma_semaphore, #tpu.memory_space<semaphore_mem>> -> memref<1x!tpu.dma_semaphore, #tpu.memory_space<semaphore_mem>>
    %dma_wait3A_490 = tpu.memref_squeeze %dma_wait3A_489 : memref<1x!tpu.dma_semaphore, #tpu.memory_space<semaphore_mem>> -> memref<!tpu.dma_semaphore, #tpu.memory_space<semaphore_mem>>
    %dma_wait3A_491 = arith.constant 0 : i32
    %dma_wait3A_492 = tpu.memref_slice %arg4[%add3A_480, %dma_wait3A_491] : memref<819200x64xf32, #tpu.memory_space<hbm>> -> memref<128x64xf32, #tpu.memory_space<hbm>>
    %dma_wait3A_493 = arith.constant 0 : i32
    %dma_wait3A_494 = arith.constant 0 : i32
    %dma_wait3A_495 = tpu.memref_slice %arg6[%dma_wait3A_481, %dma_wait3A_493, %dma_wait3A_494] : memref<8x128x64xf32, #tpu.memory_space<vmem>> -> memref<1x128x64xf32, #tpu.memory_space<vmem>>
    %dma_wait3A_496 = tpu.memref_squeeze %dma_wait3A_495 : memref<1x128x64xf32, #tpu.memory_space<vmem>> -> memref<128x64xf32, #tpu.memory_space<vmem>>
    tpu.wait_dma2 semaphore(%dma_wait3A_490 : memref<!tpu.dma_semaphore, #tpu.memory_space<semaphore_mem>>) src(%dma_wait3A_496 : memref<128x64xf32, #tpu.memory_space<vmem>>) dst(%dma_wait3A_492 : memref<128x64xf32, #tpu.memory_space<hbm>>)
    %add3A_497 = arith.constant 25344 : i32
    %add3A_498 = arith.addi %mul3A_2, %add3A_497 : i32
    %dma_wait3A_499 = arith.constant 6 : i32
    %dma_wait3A_500 = arith.constant 6 : i32
    %dma_wait3A_501 = arith.constant 0 : i32
    %dma_wait3A_502 = arith.constant 0 : i32
    %dma_wait3A_503 = tpu.memref_slice %arg6[%dma_wait3A_499, %dma_wait3A_501, %dma_wait3A_502] : memref<8x128x64xf32, #tpu.memory_space<vmem>> -> memref<1x128x64xf32, #tpu.memory_space<vmem>>
    %dma_wait3A_504 = tpu.memref_squeeze %dma_wait3A_503 : memref<1x128x64xf32, #tpu.memory_space<vmem>> -> memref<128x64xf32, #tpu.memory_space<vmem>>
    %dma_wait3A_505 = arith.constant 0 : i32
    %dma_wait3A_506 = tpu.memref_slice %arg4[%add3A_498, %dma_wait3A_505] : memref<819200x64xf32, #tpu.memory_space<hbm>> -> memref<128x64xf32, #tpu.memory_space<hbm>>
    %dma_wait3A_507 = tpu.memref_slice %arg8[%dma_wait3A_500] : memref<8x!tpu.dma_semaphore, #tpu.memory_space<semaphore_mem>> -> memref<1x!tpu.dma_semaphore, #tpu.memory_space<semaphore_mem>>
    %dma_wait3A_508 = tpu.memref_squeeze %dma_wait3A_507 : memref<1x!tpu.dma_semaphore, #tpu.memory_space<semaphore_mem>> -> memref<!tpu.dma_semaphore, #tpu.memory_space<semaphore_mem>>
    %dma_wait3A_509 = arith.constant 0 : i32
    %dma_wait3A_510 = tpu.memref_slice %arg4[%add3A_498, %dma_wait3A_509] : memref<819200x64xf32, #tpu.memory_space<hbm>> -> memref<128x64xf32, #tpu.memory_space<hbm>>
    %dma_wait3A_511 = arith.constant 0 : i32
    %dma_wait3A_512 = arith.constant 0 : i32
    %dma_wait3A_513 = tpu.memref_slice %arg6[%dma_wait3A_499, %dma_wait3A_511, %dma_wait3A_512] : memref<8x128x64xf32, #tpu.memory_space<vmem>> -> memref<1x128x64xf32, #tpu.memory_space<vmem>>
    %dma_wait3A_514 = tpu.memref_squeeze %dma_wait3A_513 : memref<1x128x64xf32, #tpu.memory_space<vmem>> -> memref<128x64xf32, #tpu.memory_space<vmem>>
    tpu.wait_dma2 semaphore(%dma_wait3A_508 : memref<!tpu.dma_semaphore, #tpu.memory_space<semaphore_mem>>) src(%dma_wait3A_514 : memref<128x64xf32, #tpu.memory_space<vmem>>) dst(%dma_wait3A_510 : memref<128x64xf32, #tpu.memory_space<hbm>>)
    %add3A_515 = arith.constant 25472 : i32
    %add3A_516 = arith.addi %mul3A_2, %add3A_515 : i32
    %dma_wait3A_517 = arith.constant 7 : i32
    %dma_wait3A_518 = arith.constant 7 : i32
    %dma_wait3A_519 = arith.constant 0 : i32
    %dma_wait3A_520 = arith.constant 0 : i32
    %dma_wait3A_521 = tpu.memref_slice %arg6[%dma_wait3A_517, %dma_wait3A_519, %dma_wait3A_520] : memref<8x128x64xf32, #tpu.memory_space<vmem>> -> memref<1x128x64xf32, #tpu.memory_space<vmem>>
    %dma_wait3A_522 = tpu.memref_squeeze %dma_wait3A_521 : memref<1x128x64xf32, #tpu.memory_space<vmem>> -> memref<128x64xf32, #tpu.memory_space<vmem>>
    %dma_wait3A_523 = arith.constant 0 : i32
    %dma_wait3A_524 = tpu.memref_slice %arg4[%add3A_516, %dma_wait3A_523] : memref<819200x64xf32, #tpu.memory_space<hbm>> -> memref<128x64xf32, #tpu.memory_space<hbm>>
    %dma_wait3A_525 = tpu.memref_slice %arg8[%dma_wait3A_518] : memref<8x!tpu.dma_semaphore, #tpu.memory_space<semaphore_mem>> -> memref<1x!tpu.dma_semaphore, #tpu.memory_space<semaphore_mem>>
    %dma_wait3A_526 = tpu.memref_squeeze %dma_wait3A_525 : memref<1x!tpu.dma_semaphore, #tpu.memory_space<semaphore_mem>> -> memref<!tpu.dma_semaphore, #tpu.memory_space<semaphore_mem>>
    %dma_wait3A_527 = arith.constant 0 : i32
    %dma_wait3A_528 = tpu.memref_slice %arg4[%add3A_516, %dma_wait3A_527] : memref<819200x64xf32, #tpu.memory_space<hbm>> -> memref<128x64xf32, #tpu.memory_space<hbm>>
    %dma_wait3A_529 = arith.constant 0 : i32
    %dma_wait3A_530 = arith.constant 0 : i32
    %dma_wait3A_531 = tpu.memref_slice %arg6[%dma_wait3A_517, %dma_wait3A_529, %dma_wait3A_530] : memref<8x128x64xf32, #tpu.memory_space<vmem>> -> memref<1x128x64xf32, #tpu.memory_space<vmem>>
    %dma_wait3A_532 = tpu.memref_squeeze %dma_wait3A_531 : memref<1x128x64xf32, #tpu.memory_space<vmem>> -> memref<128x64xf32, #tpu.memory_space<vmem>>
    tpu.wait_dma2 semaphore(%dma_wait3A_526 : memref<!tpu.dma_semaphore, #tpu.memory_space<semaphore_mem>>) src(%dma_wait3A_532 : memref<128x64xf32, #tpu.memory_space<vmem>>) dst(%dma_wait3A_528 : memref<128x64xf32, #tpu.memory_space<hbm>>)
    return
  }
}

module attributes {stable_mosaic.version = 14 : i64} {
  func.func @_xpose_block(%arg0: i32, %arg1: memref<8192x128xf32, #tpu.memory_space<vmem>>, %arg2: memref<1x64x16384xf32, #tpu.memory_space<vmem>>) attributes {dimension_semantics = [#tpu.dimension_semantics<arbitrary>], iteration_bounds = array<i64: 50>, scalar_prefetch = 0 : i64, scratch_operands = 0 : i64, tpu.core_type = #tpu.core_type<tc>, window_params = [{transform_indices = @transform_0, window_bounds = array<i64: 8192, 128>}, {transform_indices = @transform_1, window_bounds = array<i64: 1, 64, 16384>}]} {
    %get3A = arith.constant 0 : index
    %get3A_0 = arith.constant 0 : index
    %get3A_1 = vector.load %arg1[%get3A, %get3A_0] : memref<8192x128xf32, #tpu.memory_space<vmem>>, vector<8192x128xf32>
    %transpose3A = tpu.transpose %get3A_1, [1, 0] : vector<8192x128xf32> -> vector<128x8192xf32>
    %slice3A = vector.extract_strided_slice %transpose3A {offsets = [0, 0], sizes = [64, 8192], strides = [1, 1]} : vector<128x8192xf32> to vector<64x8192xf32>
    %swap3A = arith.constant 0 : index
    %swap3A_2 = arith.constant 0 : index
    %swap3A_3 = arith.constant 0 : index
    %swap3A_4 = vector.load %arg2[%swap3A, %swap3A_2, %swap3A_3] : memref<1x64x16384xf32, #tpu.memory_space<vmem>>, vector<1x64x8192xf32>
    %swap3A_5 = vector.shape_cast %swap3A_4 : vector<1x64x8192xf32> to vector<64x8192xf32>
    %swap3A_6 = vector.shape_cast %slice3A : vector<64x8192xf32> to vector<1x64x8192xf32>
    tpu.vector_store %arg2[%swap3A, %swap3A_2, %swap3A_3], %swap3A_6 {strides = array<i32>} : memref<1x64x16384xf32, #tpu.memory_space<vmem>>, vector<1x64x8192xf32>,
    %slice3A_7 = vector.extract_strided_slice %transpose3A {offsets = [64, 0], sizes = [64, 8192], strides = [1, 1]} : vector<128x8192xf32> to vector<64x8192xf32>
    %swap3A_8 = arith.constant 0 : index
    %swap3A_9 = arith.constant 0 : index
    %swap3A_10 = arith.constant 8192 : index
    %swap3A_11 = vector.load %arg2[%swap3A_8, %swap3A_9, %swap3A_10] : memref<1x64x16384xf32, #tpu.memory_space<vmem>>, vector<1x64x8192xf32>
    %swap3A_12 = vector.shape_cast %swap3A_11 : vector<1x64x8192xf32> to vector<64x8192xf32>
    %swap3A_13 = vector.shape_cast %slice3A_7 : vector<64x8192xf32> to vector<1x64x8192xf32>
    tpu.vector_store %arg2[%swap3A_8, %swap3A_9, %swap3A_10], %swap3A_13 {strides = array<i32>} : memref<1x64x16384xf32, #tpu.memory_space<vmem>>, vector<1x64x8192xf32>,
    return
  }
  func.func @transform_0(%arg0: i32) -> (i32, i32) {
    %c0_i32 = arith.constant 0 : i32
    %c0_i32_0 = arith.constant 0 : i32
    return %arg0, %c0_i32 : i32, i32
  }
  func.func @transform_1(%arg0: i32) -> (i32, i32, i32) {
    %c0_i32 = arith.constant 0 : i32
    %c0_i32_0 = arith.constant 0 : i32
    %c0_i32_1 = arith.constant 0 : i32
    return %arg0, %c0_i32, %c0_i32_0 : i32, i32, i32
  }
}

</mosaic_0001>

<sc_bundles>
// kernel: kernel.4.cloned.1.call-start
scs
__scs_entry_jumppad:
0x0: {  	(pc) =	sbr.rel $0x88, $3  }
0x1: {  	(tag) =	ssettag $0x0;
	lr =	simm.s32 $0x1  }
0x2: {  	[smem:$0x3F9F] =	sst lr;
	_ =	strace $0xD0000000  }
0x3: {  	_ = 	snop  }
0x4: {  	_ = 	snop  }
0x5: {  	_ = 	snop  }
0x6: {  	_ = 	snop  }
0x7: {  	_ = 	snop  }
__scs_overlays_trampoline_lowered:
0x8: {  	[smem:$0x3FAE] =	sst s0  }
0x9: {  	[smem:$0x3FAF] =	sst s1  }
0xa: {  	[smem:$0x3FB0] =	sst s2  }
0xb: {  	[smem:$0x3FB1] =	sst s3  }
0xc: {  	[smem:$0x3FB2] =	sst s4  }
0xd: {  	[smem:$0x3FB3] =	sst s5  }
0xe: {  	[smem:$0x3FB4] =	sst s6  }
0xf: {  	[smem:$0x3FB5] =	sst s7  }
0x10: {  	[smem:$0x3FB6] =	sst s8  }
0x11: {  	[smem:$0x3FB7] =	sst s9;
	s0 =	simm.s32 @!p0 $0x0  }
0x12: {  	s1 =	sld [smem:$0x3F9D];
	s0 =	simm.s32 @p0 $0x1  }
0x13: {  	[smem:$0x3FB8] =	sst s0;
	s0 =	simm.s32 @!p1 $0x0  }
0x14: {  	s2 =	sld [smem:$0x3F9C];
	s0 =	simm.s32 @p1 $0x1  }
0x15: {  	[smem:$0x3FB9] =	sst s0;
	s0 =	simm.s32 @!p2 $0x0  }
0x16: {  	s3 =	sld [smem:$0x3FDB];
	s0 =	simm.s32 @p2 $0x1  }
0x17: {  	s4 =	simm.s32 $0x1BF5;
	[smem:$0x3FBB] =	sst s0  }
0x18: {  	s0 =	sld [smem:$0x3F9E];
	_ =	swait.ge [sflag:s4], $0x0  }
0x19: {  	s7 =	sld [smem:$0x3F9F]  }
0x1a: {  	s8 =	sadd.s32 $0xFFFFE003, lr  }
0x1b: {  	s9 =	sadd.s32 $0xFFFFFEF7, lr;
	s5 =	simm.s32 $0xFFFFFFFF;
	p2 =	slt.u32 s8, $0xFFFFF086  }
0x1c: {  	p1 =	slt.u32 s9, $0xF7A;
	s5 =	simm.s32 @!p2 $0x0  }
0x1d: {  	s5 =	simm.s32 @p1 $0x1;
	p0 =	seq.s32 s7, s2  }
0x1e: {  	s7 =	smul.u32 @!p0 $0xF7A, s2;
	p2 =	seq.s32 @!p0 s5, $0x0  }
0x1f: {  	s9 =	smul.u32 $0xF7A, s1;
	s8 =	simm.s32 @!p0 $0x1BF5;
	p2 =	por !p2, p0  }
0x20: {  	[sflag:s8] =	ssyncset.s32 @!p0 $0xFFFFF086;
	s6 =	sadd.s32 @!p0 s3, s7;
	s7 =	simm.s32 @!p0 $0x108  }
0x21: {  	s3 =	sadd.s32 s3, s9;
	s6 =	sadd.s32 @!p0 $0x88, s6;
	s7 =	simm.s32 @p2 $0x1082  }
0x22: {  	[simem:s7], [sflag:s8] =	dma.local @!p0 [hbm:s6], $0xF7A  }
0x23: {  	s9 =	sor.u32 $0xD0000000, s2;
	s6 =	simm.s32 $0x108;
	_ =	swait.ge @!p0 [sflag:s8], $0x0  }
0x24: {  	s3 =	sadd.s32 $0x88, s3;
	s6 =	simm.s32 @!p1 $0x1082;
	[sflag:s4] =	ssyncset.s32 $0xFFFFF086  }
0x25: {  	[simem:s6], [sflag:s4] =	dma.local [hbm:s3], $0xF7A  }
0x26: {  	[smem:$0x3F9F] =	sst s1;
	(tag) =	ssettag s2;
	_ =	strace s9  }
0x27: {  	s1 =	sld [smem:$0x3FAF]  }
0x28: {  	s2 =	sld [smem:$0x3FB0]  }
0x29: {  	s4 =	sld [smem:$0x3FB2]  }
0x2a: {  	p0 =	seq.s32 s5, $0x0;
	s5 =	sld [smem:$0x3FB3]  }
0x2b: {  	s6 =	sld [smem:$0x3FB4]  }
0x2c: {  	s7 =	sld [smem:$0x3FB5]  }
0x2d: {  	s3 =	simm.s32 $0x108;
	s8 =	sld [smem:$0x3FB6]  }
0x2e: {  	s3 =	simm.s32 @!p0 $0x1082;
	s9 =	sld [smem:$0x3FB7]  }
0x2f: {  	lr =	sadd.s32 s0, s3;
	s0 =	sld [smem:$0x3FAE]  }
0x30: {  	s3 =	sld [smem:$0x3FB1]  }
0x31: {  	[smem:$0x3FBA] =	sst s10  }
0x32: {  	s10 =	sld [smem:$0x3FB8];
	_ =	sdelay $0x3  }
0x33: {  	p0 =	seq.s32 s10, $0x1;
	s10 =	sld [smem:$0x3FBA];
	_ =	sdelay $0x3  }
0x34: {  	[smem:$0x3FBA] =	sst s10  }
0x35: {  	s10 =	sld [smem:$0x3FB9];
	_ =	sdelay $0x3  }
0x36: {  	p1 =	seq.s32 s10, $0x1;
	s10 =	sld [smem:$0x3FBA];
	_ =	sdelay $0x3  }
0x37: {  	[smem:$0x3FBA] =	sst s10  }
0x38: {  	s10 =	sld [smem:$0x3FBB]  }
0x39: {  	_ = 	snop;
	(pc) =	sbr.ind lr, $3  }
0x3a: {  	_ = 	snop  }
0x3b: {  	_ = 	snop  }
0x3c: {  	p2 =	seq.s32 s10, $0x1;
	s10 =	sld [smem:$0x3FBA]  }
0x3d: {  	_ =	shalt  }
0x3e: {  	_ =	shalt  }
0x3f: {  	_ =	shalt  }
0x40: {  	_ =	shalt  }
0x41: {  	_ =	shalt  }
0x42: {  	_ =	shalt  }
0x43: {  	_ =	shalt  }
0x44: {  	_ =	shalt  }
0x45: {  	_ =	shalt  }
0x46: {  	_ =	shalt  }
0x47: {  	_ =	shalt  }
0x48: {  	_ =	shalt  }
0x49: {  	_ =	shalt  }
0x4a: {  	_ =	shalt  }
0x4b: {  	_ =	shalt  }
0x4c: {  	_ =	shalt  }
0x4d: {  	_ =	shalt  }
0x4e: {  	_ =	shalt  }
0x4f: {  	_ =	shalt  }
0x50: {  	_ =	shalt  }
0x51: {  	_ =	shalt  }
0x52: {  	_ =	shalt  }
0x53: {  	_ =	shalt  }
0x54: {  	_ =	shalt  }
0x55: {  	_ =	shalt  }
0x56: {  	_ =	shalt  }
0x57: {  	_ =	shalt  }
0x58: {  	_ =	shalt  }
0x59: {  	_ =	shalt  }
0x5a: {  	_ =	shalt  }
0x5b: {  	_ =	shalt  }
0x5c: {  	_ =	shalt  }
0x5d: {  	_ =	shalt  }
0x5e: {  	_ =	shalt  }
0x5f: {  	_ =	shalt  }
0x60: {  	_ =	shalt  }
0x61: {  	_ =	shalt  }
0x62: {  	_ =	shalt  }
0x63: {  	_ =	shalt  }
0x64: {  	_ =	shalt  }
0x65: {  	_ =	shalt  }
0x66: {  	_ =	shalt  }
0x67: {  	_ =	shalt  }
0x68: {  	_ =	shalt  }
0x69: {  	_ =	shalt  }
0x6a: {  	_ =	shalt  }
0x6b: {  	_ =	shalt  }
0x6c: {  	_ =	shalt  }
0x6d: {  	_ =	shalt  }
0x6e: {  	_ =	shalt  }
0x6f: {  	_ =	shalt  }
0x70: {  	_ =	shalt  }
0x71: {  	_ =	shalt  }
0x72: {  	_ =	shalt  }
0x73: {  	_ =	shalt  }
0x74: {  	_ =	shalt  }
0x75: {  	_ =	shalt  }
0x76: {  	_ =	shalt  }
0x77: {  	_ =	shalt  }
0x78: {  	_ =	shalt  }
0x79: {  	_ =	shalt  }
0x7a: {  	_ =	shalt  }
0x7b: {  	_ =	shalt  }
0x7c: {  	_ =	shalt  }
0x7d: {  	_ =	shalt  }
0x7e: {  	_ =	shalt  }
0x7f: {  	_ =	shalt  }
0x80: {  	_ =	shalt  }
0x81: {  	_ =	shalt  }
0x82: {  	_ =	shalt  }
0x83: {  	_ =	shalt  }
0x84: {  	_ =	shalt  }
0x85: {  	_ =	shalt  }
0x86: {  	_ =	shalt  }
0x87: {  	_ =	shalt  }
.Lfunc_end0:
.L_simem_size_0:
called_computation_lowered:
.L_overlay_start_0:
0x88: {  	s2 =	sld [smem:$0x3FD9]  }
0x89: {  	s3 =	sld [smem:$0x3FFE];
	_ =	sdelay $0x1  }
0x8a: {  	s1 =	srdreg.scid  }
0x8b: {  	s0 =	sand.u32 $0x1, s1  }
0x8c: {  	s16 =	sshll.u32 s0, $0xA;
	s2 =	sadd.s32 s3, s2  }
0x8d: {  	s2 =	sadd.s32 s2, s16  }
0x8e: {  	[smem:$0x3FC6] =	sst s2  }
0x8f: {  	_ = 	snop  }
0x90: {  	(tm) =	ssettm $0x1  }
0x91: {  	s17 =	sld [smem:$0x3FFB];
	_ =	sdelay $0x3  }
0x92: {  	_ =	strace s17  }
0x93: {  	s2 =	sld [smem:$0x3FFC];
	_ =	sdelay $0x3  }
0x94: {  	_ =	strace s2  }
0x95: {  	s2 =	sld [smem:$0x3FFD];
	_ =	sdelay $0x3  }
0x96: {  	_ =	strace s2  }
0x97: {  	_ =	strace $0x8FFFFFFF  }
0x98: {  	s18 =	sld [smem:$0x3FDB];
	_ =	sdelay $0x1  }
0x99: {  	s19 =	simm.s32 $_scs_section_size  }
0x9a: {  	s4 =	simm.s32 $_size__tile_overlayer_lowered;
	s5 =	simm.s32 $_tile_overlayer_lowered  }
0x9b: {  	s22 =	simm.s32 $0x1BFF;
	s21 =	sshll.u32 s5, $0x1;
	s2 =	sadd.s32 s19, s18  }
0x9c: {  	s6 =	simm.s32 $0x0;
	s20 =	sshll.u32 s4, $0x1;
	s4 =	sadd.s32 s21, s2  }
0x9d: {  	[timem:s6], [sflag:s22] =	dma.local [hbm:s4], s20  }
0x9e: {  	_ =	swait.ge [sflag:s22], s20  }
0x9f: {  	s3 =	ssub.s32 $0x0, s20;
	[sflag:s22] =	ssyncset.done $0x0  }
0xa0: {  	[sflag:s22] =	ssyncadd.s32 s3;
	_ =	sdelay $0x1  }
0xa1: {  	s23 =	simm.s32 $0x1B8B  }
0xa2: {  	_ =	swait.ge [sflag:s23], $0x1  }
0xa3: {  	[sflag:s23] =	ssyncset.done $0x0  }
0xa4: {  	s25 =	simm.s32 $0x1B8E;
	s24 =	sld [smem:$0x3FFE];
	[sflag:s23] =	ssyncadd.s32 $0xFFFFFFFF  }
0xa5: {  	s26 =	simm.s32 $execute0_lowered;
	[smem:$0x3FD2] =	sst s25  }
0xa6: {  	s4 =	sshll.u32 s26, $0x1;
	_ =	strace $0x80000046;
	[dreg:$0x1] =	wrdreg $0xFFFFFFFF  }
0xa7: {  	s28 =	simm.s32 $_size_execute0_lowered;
	s2 =	sadd.s32 s2, s4;
	[dreg:$0x0] =	wrdreg $0x0  }
0xa8: {  	s4 =	sshll.u32 s28, $0x1;
	[dreg:$0x2] =	wrdreg s2  }
0xa9: {  	[dreg:$0x3] =	wrdreg s4  }
0xaa: {  	[dreg:$0x4] =	wrdreg $0xC0  }
0xab: {  	_ =	task [dreg:s6], $0x5FFFF  }
0xac: {  	[dreg:$0x1] =	wrdreg $0xFFFFFFFF  }
0xad: {  	[dreg:$0x0] =	wrdreg $0x60  }
0xae: {  	[dreg:$0x2] =	wrdreg s24  }
0xaf: {  	[dreg:$0x3] =	wrdreg $0x9  }
0xb0: {  	_ =	task.clear_ibuf [dreg:s6], $0x4FFFF;
	_ =	strace $0x90000046  }
0xb1: {  	s29 =	simm.s32 $0x9;
	_ =	strace $0x80000048  }
0xb2: {  	_ =	swait.ge [sflag:s29], $0x1  }
0xb3: {  	[sflag:s29] =	ssyncadd.s32 $0xFFFFFFFF  }
0xb4: {  	_ =	strace $0x90000048  }
0xb5: {  	_ =	sfence  }
0xb6: {  	s30 =	sld [smem:$0x0];
	_ =	sdelay $0x2  }
0xb7: {  	s31 =	sshll.u32 s1, $0xD;
	s1 =	sshrl.u32 s1, $0x2  }
0xb8: {  	s3 =	sand.u32 $0x4000, s31;
	s1 =	sadd.s32 s1, s30  }
0xb9: {  	s0 =	sor.u32 s3, s0;
	s1 =	sshll.u32 s1, $0x11  }
0xba: {  	s0 =	sor.u32 s1, s0  }
0xbb: {  	s0 =	sadd.s32 $0x8F2B, s0  }
0xbc: {  	[sflag:s0] =	ssyncadd.remote.s32 $0x1  }
0xbd: {  	_ =	sfence.sel $0xFFFF  }
0xbe: {  	[dreg:$0x0] =	wrdreg $0xFFFFFFFF;
	(pc) =	sbr.abs _section_cstart, $3  }
0xbf: {  	[dreg:$0x1] =	wrdreg $0xFFFFFFFF  }
0xc0: {  	_ =	task.clear_ibuf [dreg:s6], $0x2FFFF;
	_ =	strace $0x9FFFFFFF  }
0xc1: {  	(tm) =	ssettm $0x7FFFFFFF  }
tec
execute0_lowered:
.L_overlay_start_1:
0x0: {  	(tag) =	ssettag $0x1  }
0x1: {  	s0 =	srdreg.scid  }
0x2: {  	s7 =	stileid.u32;
	s4 =	rddreg [dreg:$0x0];
	s2 =	simm.s32 $0x0  }
0x3: {  	s28 =	simm.s32 $0x1;
	s30 =	simm.s32 $0x12400;
	s31 =	simm.s32 $0x2  }
0x4: {  	s29 =	simm.s32 $0x5;
	s10 =	simm.s32 $0xE;
	s11 =	simm.s32 $0xF  }
0x5: {  	s12 =	simm.s32 $0x10;
	s13 =	simm.s32 $0x0;
	s0 =	sand.u32 $0x1, s0  }
0x6: {  	[smem:$0x7FF] =	sst s2;
	s1 =	sshll.u32 s0, $0x4;
	s5 =	smul.u32 $0x64000, s0  }
0x7: {  	s0 =	ssub.s32 $0x2, s0;
	s1 =	sor.u32 s7, s1;
	s7 =	smul.u32 $0x6400, s7  }
0x8: {  	_ =	strace $0x80000047;
	s8 =	sshrl.u32 s0, $0x1;
	s3 =	smul.u32 $0x6400, s1  }
0x9: {  	s9 =	smul.u32 $0x32000, s1;
	s0 =	ssub.s32 s0, s8;
	s5 =	sadd.s32 s7, s5  }
0xa: {  	s0 =	smax.u32 s0, $0x1;
	s3 =	sshrl.u32 s3, $0x3;
	s5 =	sshll.u32 s5, $0x3  }
0xb: {  	[dreg:$0x14] =	wrdreg s0;
	s6 =	sadd.s32 s3, s4;
	s16 =	sor.u32 $0x1C00, s5  }
0xc: {  	s3 =	sadd.s32 $0xF42A00, s4;
	s4 =	sadd.s32 $0x19600, s4;
	[dreg:$0x2] =	wrdreg s16  }
0xd: {  	s1 =	smul.u32 $0x190000, s1;
	s17 =	sor.u32 $0x1800, s5;
	[dreg:$0xa] =	wrdreg s4  }
0xe: {  	s8 =	simm.s32 $0x7;
	s18 =	sor.u32 $0x1400, s5;
	[dreg:$0x3] =	wrdreg s17  }
0xf: {  	s7 =	simm.s32 $0xC;
	s19 =	sor.u32 $0x1000, s5;
	[dreg:$0x4] =	wrdreg s18  }
0x10: {  	s1 =	sshrl.u32 s1, $0x3;
	s21 =	sor.u32 $0xC00, s5;
	[dreg:$0x5] =	wrdreg s19  }
0x11: {  	s0 =	simm.s32 $0x14400;
	s23 =	sor.u32 $0x800, s5;
	[dreg:$0x6] =	wrdreg s21  }
0x12: {  	s25 =	sadd.s32 $0x2400, s5;
	s5 =	sadd.s32 $0x2000, s5;
	[dreg:$0x7] =	wrdreg s23  }
0x13: {  	s14 =	sadd.s32 s4, s9;
	s6 =	sadd.s32 $0x600, s6;
	[dreg:$0x8] =	wrdreg s25  }
0x14: {  	s1 =	sadd.s32 s4, s1;
	[dreg:$0x9] =	wrdreg s5;
	s16 =	simm.s32 $0x80  }
0x15: {  	s17 =	simm.s32 $0x6400;
	s18 =	simm.s32 $0x8400;
	[dreg:$0xc] =	wrdreg s6  }
0x16: {  	s19 =	simm.s32 $0x3;
	[dreg:$0xb] =	wrdreg s14;
	s15 =	sadd.s32 $0x400, s14  }
0x17: {  	s21 =	simm.s32 $0x9;
	s4 =	sadd.s32 $0x30800, s1;
	[dreg:$0xd] =	wrdreg s15  }
0x18: {  	s23 =	simm.s32 $0x4;
	s20 =	sadd.s32 $0x30C00, s1;
	[dreg:$0xe] =	wrdreg s4  }
0x19: {  	s25 =	simm.s32 $0xA;
	s22 =	sadd.s32 $0x31000, s1;
	[dreg:$0xf] =	wrdreg s20  }
0x1a: {  	s5 =	simm.s32 $0xD;
	s24 =	sadd.s32 $0x31400, s1;
	[dreg:$0x10] =	wrdreg s22  }
0x1b: {  	s9 =	simm.s32 $0x8;
	s26 =	sadd.s32 $0x31800, s1;
	[dreg:$0x11] =	wrdreg s24  }
0x1c: {  	s1 =	sadd.s32 $0x31C00, s1;
	s6 =	simm.s32 $0x6;
	[dreg:$0x12] =	wrdreg s26  }
0x1d: {  	[dreg:$0x13] =	wrdreg s1;
	s20 =	simm.s32 $0xA400;
	s22 =	simm.s32 $0xC400  }
0x1e: {  	s24 =	simm.s32 $0xE400;
	s26 =	simm.s32 $0x10400;
	s1 =	simm.s32 $0xB  }
.LBB2_1:
0x1f: {  	[dreg:$0x15] =	wrdreg s13  }
0x20: {  	s4 =	rddreg [dreg:$0xc];
	s15 =	simm.s32 $0x11  }
0x21: {  	[tilespmem:s2], [sflag:$0x11] =	stream.linear.gather [hbm4b:s4+s2], $0x6400, $0x38;
	[tilespmem:$0x16400] =	vst v63  }
0x22: {  	_ =	swait.ge [sflag:s15], $0x6400  }
0x23: {  	[sflag:s15] =	ssyncset.done $0x0  }
0x24: {  	[sflag:s15] =	ssyncadd.s32 $0xFFFF9C00  }
0x25: {  	[tilespmem:s17], [sflag:$0x1] =	stream.indirect.gather [hbm4b:s3+s16], $0x40, s2, s16, $0xb8;
	[tilespmem:$0x16400] =	vst v63  }
0x26: {  	_ = 	snop  }
0x27: {  	[tilespmem:s18], [sflag:$0x2] =	stream.indirect.gather [hbm4b:s3+s16], $0x40, s16, s16, $0xb8;
	[tilespmem:$0x16400] =	vst v63  }
0x28: {  	s13 =	simm.s32 $0x100  }
0x29: {  	[tilespmem:s20], [sflag:$0x3] =	stream.indirect.gather [hbm4b:s3+s16], $0x40, s13, s16, $0xb8;
	[tilespmem:$0x16400] =	vst v63  }
0x2a: {  	s14 =	simm.s32 $0x180  }
0x2b: {  	[tilespmem:s22], [sflag:$0x4] =	stream.indirect.gather [hbm4b:s3+s16], $0x40, s14, s16, $0xb8;
	[tilespmem:$0x16400] =	vst v63  }
0x2c: {  	s15 =	simm.s32 $0x200  }
0x2d: {  	[tilespmem:s24], [sflag:$0x5] =	stream.indirect.gather [hbm4b:s3+s16], $0x40, s15, s16, $0xb8;
	[tilespmem:$0x16400] =	vst v63  }
0x2e: {  	s13 =	simm.s32 $0x280  }
0x2f: {  	[tilespmem:s26], [sflag:$0x6] =	stream.indirect.gather [hbm4b:s3+s16], $0x40, s13, s16, $0xb8;
	[tilespmem:$0x16400] =	vst v63  }
0x30: {  	_ =	swait.ge [sflag:s28], $0x2000  }
0x31: {  	[sflag:s28] =	ssyncset.done $0x0  }
0x32: {  	s14 =	rddreg [dreg:$0xb];
	[sflag:s28] =	ssyncadd.s32 $0xFFFFE000  }
0x33: {  	[hbm4b:s14+s2] =	stream.linear.scatter [tilespmem:s17], [sflag:$0x9], $0x2000, $0x38;
	[tilespmem:$0x16400] =	vst v63  }
0x34: {  	s15 =	simm.s32 $0x300  }
0x35: {  	[tilespmem:s30], [sflag:$0x7] =	stream.indirect.gather [hbm4b:s3+s16], $0x40, s15, s16, $0xb8;
	[tilespmem:$0x16400] =	vst v63  }
0x36: {  	_ =	swait.ge [sflag:s31], $0x2000  }
0x37: {  	[sflag:s31] =	ssyncset.done $0x0  }
0x38: {  	s13 =	rddreg [dreg:$0xd];
	[sflag:s31] =	ssyncadd.s32 $0xFFFFE000  }
0x39: {  	[hbm4b:s13+s2] =	stream.linear.scatter [tilespmem:s18], [sflag:$0xA], $0x2000, $0x38;
	[tilespmem:$0x16400] =	vst v63  }
0x3a: {  	s14 =	simm.s32 $0x380  }
0x3b: {  	[tilespmem:s0], [sflag:$0x8] =	stream.indirect.gather [hbm4b:s3+s16], $0x40, s14, s16, $0xb8;
	[tilespmem:$0x16400] =	vst v63  }
0x3c: {  	_ =	swait.ge [sflag:s19], $0x2000  }
0x3d: {  	s15 =	rddreg [dreg:$0x7]  }
0x3e: {  	[sflag:s19] =	ssyncset.done $0x0;
	s4 =	rddreg [dreg:$0xa]  }
0x3f: {  	[sflag:s19] =	ssyncadd.s32 $0xFFFFE000;
	s13 =	sadd.s32 s4, s15  }
0x40: {  	[hbm4b:s13+s2] =	stream.linear.scatter [tilespmem:s20], [sflag:$0xB], $0x2000, $0x38;
	[tilespmem:$0x16400] =	vst v63  }
0x41: {  	_ =	swait.ge [sflag:s21], $0x2000  }
0x42: {  	[sflag:s21] =	ssyncset.done $0x0  }
0x43: {  	s14 =	simm.s32 $0x400;
	[sflag:s21] =	ssyncadd.s32 $0xFFFFE000  }
0x44: {  	[tilespmem:s17], [sflag:$0x1] =	stream.indirect.gather [hbm4b:s3+s16], $0x40, s14, s16, $0xb8;
	[tilespmem:$0x16400] =	vst v63  }
0x45: {  	_ =	swait.ge [sflag:s23], $0x2000  }
0x46: {  	s15 =	rddreg [dreg:$0x6];
	[sflag:s23] =	ssyncset.done $0x0  }
0x47: {  	[sflag:s23] =	ssyncadd.s32 $0xFFFFE000;
	s13 =	sadd.s32 s4, s15  }
0x48: {  	[hbm4b:s13+s2] =	stream.linear.scatter [tilespmem:s22], [sflag:$0xC], $0x2000, $0x38;
	[tilespmem:$0x16400] =	vst v63  }
0x49: {  	_ =	swait.ge [sflag:s25], $0x2000  }
0x4a: {  	[sflag:s25] =	ssyncset.done $0x0  }
0x4b: {  	s14 =	simm.s32 $0x480;
	[sflag:s25] =	ssyncadd.s32 $0xFFFFE000  }
0x4c: {  	[tilespmem:s18], [sflag:$0x2] =	stream.indirect.gather [hbm4b:s3+s16], $0x40, s14, s16, $0xb8;
	[tilespmem:$0x16400] =	vst v63  }
0x4d: {  	_ =	swait.ge [sflag:s29], $0x2000  }
0x4e: {  	s15 =	rddreg [dreg:$0x5];
	[sflag:s29] =	ssyncset.done $0x0  }
0x4f: {  	[sflag:s29] =	ssyncadd.s32 $0xFFFFE000;
	s13 =	sadd.s32 s4, s15  }
0x50: {  	[hbm4b:s13+s2] =	stream.linear.scatter [tilespmem:s24], [sflag:$0xD], $0x2000, $0x38;
	[tilespmem:$0x16400] =	vst v63  }
0x51: {  	_ =	swait.ge [sflag:s1], $0x2000  }
0x52: {  	[sflag:s1] =	ssyncset.done $0x0  }
0x53: {  	s14 =	simm.s32 $0x500;
	[sflag:s1] =	ssyncadd.s32 $0xFFFFE000  }
0x54: {  	[tilespmem:s20], [sflag:$0x3] =	stream.indirect.gather [hbm4b:s3+s16], $0x40, s14, s16, $0xb8;
	[tilespmem:$0x16400] =	vst v63  }
0x55: {  	_ =	swait.ge [sflag:s6], $0x2000  }
0x56: {  	s15 =	rddreg [dreg:$0x4];
	[sflag:s6] =	ssyncset.done $0x0  }
0x57: {  	[sflag:s6] =	ssyncadd.s32 $0xFFFFE000;
	s13 =	sadd.s32 s4, s15  }
0x58: {  	[hbm4b:s13+s2] =	stream.linear.scatter [tilespmem:s26], [sflag:$0xE], $0x2000, $0x38;
	[tilespmem:$0x16400] =	vst v63  }
0x59: {  	_ =	swait.ge [sflag:s7], $0x2000  }
0x5a: {  	[sflag:s7] =	ssyncset.done $0x0  }
0x5b: {  	s14 =	simm.s32 $0x580;
	[sflag:s7] =	ssyncadd.s32 $0xFFFFE000  }
0x5c: {  	[tilespmem:s22], [sflag:$0x4] =	stream.indirect.gather [hbm4b:s3+s16], $0x40, s14, s16, $0xb8;
	[tilespmem:$0x16400] =	vst v63  }
0x5d: {  	_ =	swait.ge [sflag:s8], $0x2000  }
0x5e: {  	s15 =	rddreg [dreg:$0x3];
	[sflag:s8] =	ssyncset.done $0x0  }
0x5f: {  	[sflag:s8] =	ssyncadd.s32 $0xFFFFE000;
	s13 =	sadd.s32 s4, s15  }
0x60: {  	[hbm4b:s13+s2] =	stream.linear.scatter [tilespmem:s30], [sflag:$0xF], $0x2000, $0x38;
	[tilespmem:$0x16400] =	vst v63  }
0x61: {  	_ =	swait.ge [sflag:s5], $0x2000  }
0x62: {  	[sflag:s5] =	ssyncset.done $0x0  }
0x63: {  	s14 =	simm.s32 $0x600;
	[sflag:s5] =	ssyncadd.s32 $0xFFFFE000  }
0x64: {  	[tilespmem:s24], [sflag:$0x5] =	stream.indirect.gather [hbm4b:s3+s16], $0x40, s14, s16, $0xb8;
	[tilespmem:$0x16400] =	vst v63  }
0x65: {  	_ =	swait.ge [sflag:s9], $0x2000  }
0x66: {  	s15 =	rddreg [dreg:$0x2];
	[sflag:s9] =	ssyncset.done $0x0  }
0x67: {  	[sflag:s9] =	ssyncadd.s32 $0xFFFFE000;
	s13 =	sadd.s32 s4, s15  }
0x68: {  	[hbm4b:s13+s2] =	stream.linear.scatter [tilespmem:s0], [sflag:$0x10], $0x2000, $0x38;
	[tilespmem:$0x16400] =	vst v63  }
0x69: {  	_ =	swait.ge [sflag:s10], $0x2000  }
0x6a: {  	[sflag:s10] =	ssyncset.done $0x0  }
0x6b: {  	s14 =	simm.s32 $0x680;
	[sflag:s10] =	ssyncadd.s32 $0xFFFFE000  }
0x6c: {  	[tilespmem:s26], [sflag:$0x6] =	stream.indirect.gather [hbm4b:s3+s16], $0x40, s14, s16, $0xb8;
	[tilespmem:$0x16400] =	vst v63  }
0x6d: {  	_ =	swait.ge [sflag:s28], $0x2000  }
0x6e: {  	s15 =	rddreg [dreg:$0x9];
	[sflag:s28] =	ssyncset.done $0x0  }
0x6f: {  	[sflag:s28] =	ssyncadd.s32 $0xFFFFE000;
	s13 =	sadd.s32 s4, s15  }
0x70: {  	[hbm4b:s13+s2] =	stream.linear.scatter [tilespmem:s17], [sflag:$0x9], $0x2000, $0x38;
	[tilespmem:$0x16400] =	vst v63  }
0x71: {  	_ =	swait.ge [sflag:s11], $0x2000  }
0x72: {  	[sflag:s11] =	ssyncset.done $0x0  }
0x73: {  	s14 =	simm.s32 $0x700;
	[sflag:s11] =	ssyncadd.s32 $0xFFFFE000  }
0x74: {  	[tilespmem:s30], [sflag:$0x7] =	stream.indirect.gather [hbm4b:s3+s16], $0x40, s14, s16, $0xb8;
	[tilespmem:$0x16400] =	vst v63  }
0x75: {  	_ =	swait.ge [sflag:s31], $0x2000  }
0x76: {  	s15 =	rddreg [dreg:$0x8];
	[sflag:s31] =	ssyncset.done $0x0  }
0x77: {  	[sflag:s31] =	ssyncadd.s32 $0xFFFFE000;
	s13 =	sadd.s32 s4, s15  }
0x78: {  	[hbm4b:s13+s2] =	stream.linear.scatter [tilespmem:s18], [sflag:$0xA], $0x2000, $0x38;
	[tilespmem:$0x16400] =	vst v63  }
0x79: {  	_ =	swait.ge [sflag:s12], $0x2000  }
0x7a: {  	s14 =	simm.s32 $0x1000;
	[sflag:s12] =	ssyncset.done $0x0  }
0x7b: {  	s15 =	sadd.s32 $0x2000, s4;
	s13 =	simm.s32 $0x780;
	[sflag:s12] =	ssyncadd.s32 $0xFFFFE000  }
.LBB2_2:
0x7c: {  	[tilespmem:s0], [sflag:$0x8] =	stream.indirect.gather [hbm4b:s3+s16], $0x40, s13, s16, $0xb8;
	[tilespmem:$0x16400] =	vst v63  }
0x7d: {  	_ =	swait.ge [sflag:s19], $0x2000  }
0x7e: {  	s4 =	rddreg [dreg:$0x7];
	[sflag:s19] =	ssyncset.done $0x0  }
0x7f: {  	[sflag:s19] =	ssyncadd.s32 $0xFFFFE000;
	s4 =	sadd.s32 s15, s4  }
0x80: {  	[hbm4b:s4+s2] =	stream.linear.scatter [tilespmem:s20], [sflag:$0xB], $0x2000, $0x38;
	[tilespmem:$0x16400] =	vst v63  }
0x81: {  	s13 =	smov.u32 s14;
	_ =	swait.ge [sflag:s21], $0x2000  }
0x82: {  	s13 =	sshra.s32 s13, $0x2;
	[sflag:s21] =	ssyncset.done $0x0  }
0x83: {  	s4 =	sadd.s32 $0x400, s13;
	[sflag:s21] =	ssyncadd.s32 $0xFFFFE000  }
0x84: {  	[tilespmem:s17], [sflag:$0x1] =	stream.indirect.gather [hbm4b:s3+s16], $0x40, s4, s16, $0xb8;
	[tilespmem:$0x16400] =	vst v63  }
0x85: {  	_ =	swait.ge [sflag:s23], $0x2000  }
0x86: {  	s4 =	rddreg [dreg:$0x6];
	[sflag:s23] =	ssyncset.done $0x0  }
0x87: {  	[sflag:s23] =	ssyncadd.s32 $0xFFFFE000;
	s4 =	sadd.s32 s15, s4  }
0x88: {  	[hbm4b:s4+s2] =	stream.linear.scatter [tilespmem:s22], [sflag:$0xC], $0x2000, $0x38;
	[tilespmem:$0x16400] =	vst v63  }
0x89: {  	_ =	swait.ge [sflag:s25], $0x2000  }
0x8a: {  	[sflag:s25] =	ssyncset.done $0x0  }
0x8b: {  	s4 =	sadd.s32 $0x480, s13;
	[sflag:s25] =	ssyncadd.s32 $0xFFFFE000  }
0x8c: {  	[tilespmem:s18], [sflag:$0x2] =	stream.indirect.gather [hbm4b:s3+s16], $0x40, s4, s16, $0xb8;
	[tilespmem:$0x16400] =	vst v63  }
0x8d: {  	_ =	swait.ge [sflag:s29], $0x2000  }
0x8e: {  	s4 =	rddreg [dreg:$0x5];
	[sflag:s29] =	ssyncset.done $0x0  }
0x8f: {  	[sflag:s29] =	ssyncadd.s32 $0xFFFFE000;
	s4 =	sadd.s32 s15, s4  }
0x90: {  	[hbm4b:s4+s2] =	stream.linear.scatter [tilespmem:s24], [sflag:$0xD], $0x2000, $0x38;
	[tilespmem:$0x16400] =	vst v63  }
0x91: {  	_ =	swait.ge [sflag:s1], $0x2000  }
0x92: {  	[sflag:s1] =	ssyncset.done $0x0  }
0x93: {  	s4 =	sadd.s32 $0x500, s13;
	[sflag:s1] =	ssyncadd.s32 $0xFFFFE000  }
0x94: {  	[tilespmem:s20], [sflag:$0x3] =	stream.indirect.gather [hbm4b:s3+s16], $0x40, s4, s16, $0xb8;
	[tilespmem:$0x16400] =	vst v63  }
0x95: {  	_ =	swait.ge [sflag:s6], $0x2000  }
0x96: {  	s4 =	rddreg [dreg:$0x4];
	[sflag:s6] =	ssyncset.done $0x0  }
0x97: {  	[sflag:s6] =	ssyncadd.s32 $0xFFFFE000;
	s4 =	sadd.s32 s15, s4  }
0x98: {  	[hbm4b:s4+s2] =	stream.linear.scatter [tilespmem:s26], [sflag:$0xE], $0x2000, $0x38;
	[tilespmem:$0x16400] =	vst v63  }
0x99: {  	_ =	swait.ge [sflag:s7], $0x2000  }
0x9a: {  	[sflag:s7] =	ssyncset.done $0x0  }
0x9b: {  	s4 =	sadd.s32 $0x580, s13;
	[sflag:s7] =	ssyncadd.s32 $0xFFFFE000  }
0x9c: {  	[tilespmem:s22], [sflag:$0x4] =	stream.indirect.gather [hbm4b:s3+s16], $0x40, s4, s16, $0xb8;
	[tilespmem:$0x16400] =	vst v63  }
0x9d: {  	_ =	swait.ge [sflag:s8], $0x2000  }
0x9e: {  	s4 =	rddreg [dreg:$0x3];
	[sflag:s8] =	ssyncset.done $0x0  }
0x9f: {  	[sflag:s8] =	ssyncadd.s32 $0xFFFFE000;
	s4 =	sadd.s32 s15, s4  }
0xa0: {  	[hbm4b:s4+s2] =	stream.linear.scatter [tilespmem:s30], [sflag:$0xF], $0x2000, $0x38;
	[tilespmem:$0x16400] =	vst v63  }
0xa1: {  	_ =	swait.ge [sflag:s5], $0x2000  }
0xa2: {  	[sflag:s5] =	ssyncset.done $0x0  }
0xa3: {  	s4 =	sadd.s32 $0x600, s13;
	[sflag:s5] =	ssyncadd.s32 $0xFFFFE000  }
0xa4: {  	[tilespmem:s24], [sflag:$0x5] =	stream.indirect.gather [hbm4b:s3+s16], $0x40, s4, s16, $0xb8;
	[tilespmem:$0x16400] =	vst v63  }
0xa5: {  	_ =	swait.ge [sflag:s9], $0x2000  }
0xa6: {  	s4 =	rddreg [dreg:$0x2];
	[sflag:s9] =	ssyncset.done $0x0  }
0xa7: {  	[sflag:s9] =	ssyncadd.s32 $0xFFFFE000;
	s4 =	sadd.s32 s15, s4  }
0xa8: {  	[hbm4b:s4+s2] =	stream.linear.scatter [tilespmem:s0], [sflag:$0x10], $0x2000, $0x38;
	[tilespmem:$0x16400] =	vst v63  }
0xa9: {  	_ =	swait.ge [sflag:s10], $0x2000  }
0xaa: {  	[sflag:s10] =	ssyncset.done $0x0  }
0xab: {  	s4 =	sadd.s32 $0x680, s13;
	[sflag:s10] =	ssyncadd.s32 $0xFFFFE000  }
0xac: {  	[tilespmem:s26], [sflag:$0x6] =	stream.indirect.gather [hbm4b:s3+s16], $0x40, s4, s16, $0xb8;
	[tilespmem:$0x16400] =	vst v63  }
0xad: {  	_ =	swait.ge [sflag:s28], $0x2000  }
0xae: {  	s4 =	rddreg [dreg:$0x9];
	[sflag:s28] =	ssyncset.done $0x0  }
0xaf: {  	[sflag:s28] =	ssyncadd.s32 $0xFFFFE000;
	s4 =	sadd.s32 s15, s4  }
0xb0: {  	[hbm4b:s4+s2] =	stream.linear.scatter [tilespmem:s17], [sflag:$0x9], $0x2000, $0x38;
	[tilespmem:$0x16400] =	vst v63  }
0xb1: {  	_ =	swait.ge [sflag:s11], $0x2000  }
0xb2: {  	[sflag:s11] =	ssyncset.done $0x0  }
0xb3: {  	s4 =	sadd.s32 $0x700, s13;
	[sflag:s11] =	ssyncadd.s32 $0xFFFFE000  }
0xb4: {  	[tilespmem:s30], [sflag:$0x7] =	stream.indirect.gather [hbm4b:s3+s16], $0x40, s4, s16, $0xb8;
	[tilespmem:$0x16400] =	vst v63  }
0xb5: {  	_ =	swait.ge [sflag:s31], $0x2000  }
0xb6: {  	p0 =	sne.s32 s14, $0x17000;
	s4 =	rddreg [dreg:$0x8];
	[sflag:s31] =	ssyncset.done $0x0  }
.Ltmp0:
0xb7: {  	[sflag:s31] =	ssyncadd.s32 $0xFFFFE000;
	s4 =	sadd.s32 s15, s4;
	(pc) =	sbr.rel @p0 .LBB2_2-.Ltmp0, $4  }
0xb8: {  	[hbm4b:s4+s2] =	stream.linear.scatter [tilespmem:s18], [sflag:$0xA], $0x2000, $0x38;
	[tilespmem:$0x16400] =	vst v63  }
0xb9: {  	_ =	swait.ge [sflag:s12], $0x2000  }
0xba: {  	s14 =	sadd.s32 $0x1000, s14;
	[sflag:s12] =	ssyncset.done $0x0  }
0xbb: {  	s13 =	sadd.s32 $0x780, s13;
	s15 =	sadd.s32 $0x2000, s15;
	[sflag:s12] =	ssyncadd.s32 $0xFFFFE000  }
0xbc: {  	[tilespmem:s0], [sflag:$0x8] =	stream.indirect.gather [hbm4b:s3+s16], $0x40, s13, s16, $0xb8;
	[tilespmem:$0x16400] =	vst v63  }
0xbd: {  	_ =	swait.ge [sflag:s19], $0x2000  }
0xbe: {  	[sflag:s19] =	ssyncset.done $0x0  }
0xbf: {  	s4 =	rddreg [dreg:$0xe];
	[sflag:s19] =	ssyncadd.s32 $0xFFFFE000  }
0xc0: {  	[hbm4b:s4+s2] =	stream.linear.scatter [tilespmem:s20], [sflag:$0xB], $0x2000, $0x38;
	[tilespmem:$0x16400] =	vst v63  }
0xc1: {  	_ =	swait.ge [sflag:s23], $0x2000  }
0xc2: {  	[sflag:s23] =	ssyncset.done $0x0  }
0xc3: {  	s15 =	rddreg [dreg:$0xf];
	[sflag:s23] =	ssyncadd.s32 $0xFFFFE000  }
0xc4: {  	[hbm4b:s15+s2] =	stream.linear.scatter [tilespmem:s22], [sflag:$0xC], $0x2000, $0x38;
	[tilespmem:$0x16400] =	vst v63  }
0xc5: {  	_ =	swait.ge [sflag:s29], $0x2000  }
0xc6: {  	[sflag:s29] =	ssyncset.done $0x0  }
0xc7: {  	s13 =	rddreg [dreg:$0x10];
	[sflag:s29] =	ssyncadd.s32 $0xFFFFE000  }
0xc8: {  	[hbm4b:s13+s2] =	stream.linear.scatter [tilespmem:s24], [sflag:$0xD], $0x2000, $0x38;
	[tilespmem:$0x16400] =	vst v63  }
0xc9: {  	_ =	swait.ge [sflag:s6], $0x2000  }
0xca: {  	[sflag:s6] =	ssyncset.done $0x0  }
0xcb: {  	s14 =	rddreg [dreg:$0x11];
	[sflag:s6] =	ssyncadd.s32 $0xFFFFE000  }
0xcc: {  	[hbm4b:s14+s2] =	stream.linear.scatter [tilespmem:s26], [sflag:$0xE], $0x2000, $0x38;
	[tilespmem:$0x16400] =	vst v63  }
0xcd: {  	_ =	swait.ge [sflag:s8], $0x2000  }
0xce: {  	[sflag:s8] =	ssyncset.done $0x0  }
0xcf: {  	s15 =	rddreg [dreg:$0x12];
	[sflag:s8] =	ssyncadd.s32 $0xFFFFE000  }
0xd0: {  	[hbm4b:s15+s2] =	stream.linear.scatter [tilespmem:s30], [sflag:$0xF], $0x2000, $0x38;
	[tilespmem:$0x16400] =	vst v63  }
0xd1: {  	_ =	swait.ge [sflag:s9], $0x2000  }
0xd2: {  	[sflag:s9] =	ssyncset.done $0x0  }
0xd3: {  	s13 =	rddreg [dreg:$0x13];
	[sflag:s9] =	ssyncadd.s32 $0xFFFFE000  }
0xd4: {  	[hbm4b:s13+s2] =	stream.linear.scatter [tilespmem:s0], [sflag:$0x10], $0x2000, $0x38;
	[tilespmem:$0x16400] =	vst v63  }
0xd5: {  	_ =	swait.ge [sflag:s21], $0x2000  }
0xd6: {  	[sflag:s21] =	ssyncset.done $0x0  }
0xd7: {  	[sflag:s21] =	ssyncadd.s32 $0xFFFFE000  }
0xd8: {  	_ =	swait.ge [sflag:s25], $0x2000  }
0xd9: {  	[sflag:s25] =	ssyncset.done $0x0  }
0xda: {  	[sflag:s25] =	ssyncadd.s32 $0xFFFFE000  }
0xdb: {  	_ =	swait.ge [sflag:s1], $0x2000  }
0xdc: {  	[sflag:s1] =	ssyncset.done $0x0  }
0xdd: {  	[sflag:s1] =	ssyncadd.s32 $0xFFFFE000  }
0xde: {  	_ =	swait.ge [sflag:s7], $0x2000  }
0xdf: {  	[sflag:s7] =	ssyncset.done $0x0  }
0xe0: {  	[sflag:s7] =	ssyncadd.s32 $0xFFFFE000  }
0xe1: {  	_ =	swait.ge [sflag:s5], $0x2000  }
0xe2: {  	[sflag:s5] =	ssyncset.done $0x0  }
0xe3: {  	[sflag:s5] =	ssyncadd.s32 $0xFFFFE000  }
0xe4: {  	_ =	swait.ge [sflag:s10], $0x2000  }
0xe5: {  	[sflag:s10] =	ssyncset.done $0x0  }
0xe6: {  	[sflag:s10] =	ssyncadd.s32 $0xFFFFE000  }
0xe7: {  	_ =	swait.ge [sflag:s11], $0x2000  }
0xe8: {  	[sflag:s11] =	ssyncset.done $0x0  }
0xe9: {  	[sflag:s11] =	ssyncadd.s32 $0xFFFFE000  }
0xea: {  	_ =	swait.ge [sflag:s12], $0x2000  }
0xeb: {  	s14 =	rddreg [dreg:$0x15]  }
0xec: {  	s15 =	rddreg [dreg:$0x14];
	s13 =	sadd.s32 $0x1, s14  }
0xed: {  	p0 =	sne.s32 s13, s15  }
.Ltmp1:
0xee: {  	_ = 	snop;
	(pc) =	sbr.rel @p0 .LBB2_1-.Ltmp1, $3  }
0xef: {  	_ =	sdelay $0x1  }
0xf0: {  	[sflag:s12] =	ssyncset.done $0x0  }
0xf1: {  	[sflag:s12] =	ssyncadd.s32 $0xFFFFE000  }
0xf2: {  	_ =	sfence.sel $0x180000  }
0xf3: {  	[bflag:$0x0] =	sbarrier.arrive $0xFFFF  }
0xf4: {  	_ =	strace $0x90000047  }
0xf5: {  	s0 =	stileid.u32;
	[bflag:$0x2] =	sbarrier.arrive $0xFFFF  }
0xf6: {  	p0 =	sne.s32 s0, $0x0;
	s0 =	rddreg [dreg:$0x1]  }
0xf7: {  	s0 =	sadd.s32 @!p0 $0x100000, s0  }
0xf8: {  	[sflag:s0] =	ssyncadd.tile.s32 @!p0 $0x1;
	_ =	shalt  }
.Lfunc_end2:
_tile_overlayer_lowered:
.L_overlay_start_2:
0xf9: {  	(tag) =	ssettag $0x2  }
0xfa: {  	s0 =	rddreg [dreg:$0x0];
	s2 =	stileid.u32  }
0xfb: {  	s1 =	rddreg [dreg:$0x1];
	p0 =	sne.s32 s2, $0x0  }
0xfc: {  	s3 =	rddreg [dreg:$0x2];
	[bflag:$0x3] =	sbarrier.arrive $0xFFFF;
	s2 =	simm.s32 @!p0 $0x1C11  }
0xfd: {  	[timem:s3], [sflag:s2] =	dma.local @!p0 [hbm:s0], s1  }
0xfe: {  	s0 =	simm.s32 @!p0 $0x11  }
0xff: {  	_ =	swait.ge @!p0 [sflag:s0], s1  }
0x100: {  	s1 =	ssub.s32 @!p0 $0x0, s1;
	[sflag:s0] =	ssyncset.done @!p0 $0x0  }
0x101: {  	[sflag:s0] =	ssyncadd.s32 @!p0 s1  }
0x102: {  	[bflag:$0x3] =	sbarrier.arrive $0xFFFF  }
0x103: {  	_ =	shalt  }

</sc_bundles>
